<compile_context>
chip_gen: v7x
topology: tpu7x:2x2x1
jax: 0.10.2.dev20260603
libtpu: 0.0.44.dev20260713+nightly
codegen_flags: <defaults>
</compile_context>

<pallas_src>
import functools

import jax
import jax.numpy as jnp
from jax import lax
from jax.experimental import pallas as pl
from jax.experimental.pallas import tpu as pltpu
from jax.experimental.pallas import tpu_sc as plsc

NC = 2
NS = 16
NW = NC * NS
LANES = 16

_B, _S, _D = 4, 2048, 2048
_N = _B * _S
ROWS_PER_W = _N // NW
CHUNK = 8
NBUF = 3
NUM_CHUNKS = ROWS_PER_W // CHUNK


def _pe_add_body(x_hbm, pos_hbm, pe_hbm, out_hbm, idx_v,
                 rows0, rows1, rows2, xb0, xb1, xb2,
                 g0, g1, g2, xs0, xs1, xs2, o0, o1, o2):
    rows = (rows0, rows1, rows2)
    xb = (xb0, xb1, xb2)
    gsem = (g0, g1, g2)
    xsem = (xs0, xs1, xs2)
    osem = (o0, o1, o2)

    wid = lax.axis_index("s") * NC + lax.axis_index("c")
    base = wid * ROWS_PER_W

    def gather_copy(c, b):
        return pltpu.make_async_copy(
            pe_hbm.at[idx_v.at[pl.ds(c * CHUNK, CHUNK)]], rows[b], gsem[b])

    def x_copy(c, b):
        return pltpu.make_async_copy(
            x_hbm.at[pl.ds(base + c * CHUNK, CHUNK)], xb[b], xsem[b])

    def out_copy(c, b):
        return pltpu.make_async_copy(
            xb[b], out_hbm.at[pl.ds(base + c * CHUNK, CHUNK)], osem[b])

    x_copy(0, 0).start()
    pltpu.sync_copy(pos_hbm.at[pl.ds(base, ROWS_PER_W)], idx_v)
    gather_copy(0, 0).start()
    gather_copy(1, 1).start()

    def make_step(db):
        def step(cc):
            c = cc + db
            b = db
            nb = (db + 1) % NBUF
            nb2 = (db + 2) % NBUF

            @pl.when(c < NUM_CHUNKS)
            def _():
                @pl.when(c + 2 < NUM_CHUNKS)
                def _():
                    gather_copy(c + 2, nb2).start()

                @pl.when(c + 1 < NUM_CHUNKS)
                def _():
                    @pl.when(c >= 2)
                    def _():
                        out_copy(c - 2, nb).wait()

                    x_copy(c + 1, nb).start()

                gather_copy(c, b).wait()
                x_copy(c, b).wait()

                for r in range(CHUNK):
                    def make_add(rr):
                        @plsc.parallel_loop(0, _D // LANES, unroll=8)
                        def _add(i):
                            sl = pl.ds(i * LANES, LANES)
                            plsc.addupdate(xb[b].at[rr, sl], rows[b][rr, sl])
                    make_add(r)

                out_copy(c, b).start()
        return step

    @pl.loop(0, NUM_CHUNKS + (-NUM_CHUNKS) % NBUF, step=NBUF)
    def outer(cc):
        for db in range(NBUF):
            make_step(db)(cc)

    for k in range(NUM_CHUNKS - 3, NUM_CHUNKS):
        out_copy(k, k % NBUF).wait()


@jax.jit
def _pe_add(x2, pos, pe):
    body = functools.partial(
        pl.kernel,
        out_type=jax.ShapeDtypeStruct((_N, _D), jnp.float32),
        mesh=plsc.VectorSubcoreMesh(
            core_axis_name="c", subcore_axis_name="s",
            num_cores=NC, num_subcores=NS),
        scratch_types=(
            [pltpu.VMEM((ROWS_PER_W,), jnp.int32)]
            + [pltpu.VMEM((CHUNK, _D), jnp.float32)] * (2 * NBUF)
            + [pltpu.SemaphoreType.DMA] * (3 * NBUF)
        ),
    )(_pe_add_body)
    return body(x2, pos, pe)


def kernel(x, positions, pe):
    B, S, D = x.shape
    x2 = x.reshape(B * S, D)
    pos = positions.reshape(B * S)
    out = _pe_add(x2, pos, pe)
    return out.reshape(B, S, D)

# --- scband reference (transcript-rebuilt; emitter-appended) ---
"""Pipeline reference for scband-positional-encoding-20761871908965 (READ-ONLY COPY).

The authoritative reference and input builder live on the scoring server;
editing this copy changes nothing except your own understanding.
"""

import jax, jax.numpy as jnp
import numpy as np
import math

D_MODEL = 2048
MAX_LEN = 4096
B = 4
S = 2048

def _build_pe():
    position = np.arange(0, MAX_LEN, dtype=np.float32)[:, None]
    div_term = np.exp(np.arange(0, D_MODEL, 2, dtype=np.float32) * (-math.log(10000.0) / D_MODEL))
    pe = np.zeros((MAX_LEN, D_MODEL), dtype=np.float32)
    pe[:, 0::2] = np.sin(position * div_term)
    # d_model is even, so cos fills all odd columns
    pe[:, 1::2] = np.cos(position * div_term)
    return jnp.asarray(pe)

def setup_inputs(seed: int = 0) -> dict:
    key = jax.random.key(seed)
    k1, k2 = jax.random.split(key)
    x = jax.random.normal(k1, (B, S, D_MODEL), dtype=jnp.float32)
    positions = jax.random.randint(k2, (B, S), 0, MAX_LEN, dtype=jnp.int32)
    pe = _build_pe()
    return {"x": x, "positions": positions, "pe": pe}

def reference(x, positions, pe):
    positions = jnp.clip(positions, 0, pe.shape[0] - 1)
    # gather rows of the PE table by position index, then elementwise add
    return x + jnp.take(pe, positions, axis=0)

if __name__ == "__main__":
    import jax
    _d = setup_inputs()
    print(jax.jit(kernel)(*tuple(_d.values())))

</pallas_src>

<mosaic_0001>
#map = affine_map<(d0, d1) -> (0, 0)>
#map1 = affine_map<(d0, d1) -> (0)>
module attributes {stable_mosaic.version = 14 : i64} {
  func.func @_pe_add_body(%arg0: i32, %arg1: i32, %arg2: memref<8192x2048xf32, #tpu.memory_space<hbm>>, %arg3: memref<8192xi32, #tpu.memory_space<hbm>>, %arg4: memref<4096x2048xf32, #tpu.memory_space<hbm>>, %arg5: memref<8192x2048xf32, #tpu.memory_space<hbm>>, %arg6: memref<256xi32, #tpu.memory_space<vmem>>, %arg7: memref<8x2048xf32, #tpu.memory_space<vmem>>, %arg8: memref<8x2048xf32, #tpu.memory_space<vmem>>, %arg9: memref<8x2048xf32, #tpu.memory_space<vmem>>, %arg10: memref<8x2048xf32, #tpu.memory_space<vmem>>, %arg11: memref<8x2048xf32, #tpu.memory_space<vmem>>, %arg12: memref<8x2048xf32, #tpu.memory_space<vmem>>, %arg13: memref<!tpu.dma_semaphore, #tpu.memory_space<semaphore_mem>>, %arg14: memref<!tpu.dma_semaphore, #tpu.memory_space<semaphore_mem>>, %arg15: memref<!tpu.dma_semaphore, #tpu.memory_space<semaphore_mem>>, %arg16: memref<!tpu.dma_semaphore, #tpu.memory_space<semaphore_mem>>, %arg17: memref<!tpu.dma_semaphore, #tpu.memory_space<semaphore_mem>>, %arg18: memref<!tpu.dma_semaphore, #tpu.memory_space<semaphore_mem>>, %arg19: memref<!tpu.dma_semaphore, #tpu.memory_space<semaphore_mem>>, %arg20: memref<!tpu.dma_semaphore, #tpu.memory_space<semaphore_mem>>, %arg21: memref<!tpu.dma_semaphore, #tpu.memory_space<semaphore_mem>>) attributes {dimension_semantics = [#tpu.dimension_semantics<core_parallel>, #tpu.dimension_semantics<subcore_parallel>], iteration_bounds = array<i64: 2, 16>, scalar_prefetch = 0 : i64, scratch_operands = 16 : i64, tpu.core_type = #tpu.core_type<sc_vector_subcore>, window_params = [{transform_indices = #map}, {transform_indices = #map1}, {transform_indices = #map}, {transform_indices = #map}]} {
    %mul3A = arith.constant 2 : i32
    %mul3A_0 = arith.muli %arg1, %mul3A : i32
    %add3A = arith.addi %mul3A_0, %arg0 : i32
    %mul3A_1 = arith.constant 256 : i32
    %mul3A_2 = arith.muli %add3A, %mul3A_1 : i32
    %add3A_3 = arith.constant 0 : i32
    %add3A_4 = arith.addi %mul3A_2, %add3A_3 : i32
    %dma_start3A = arith.constant 0 : i32
    %dma_start3A_5 = tpu.memref_slice %arg2[%add3A_4, %dma_start3A] : memref<8192x2048xf32, #tpu.memory_space<hbm>> -> memref<8x2048xf32, #tpu.memory_space<hbm>>
    %dma_start3A_6 = arith.constant 0 : i32
    %dma_start3A_7 = tpu.memref_slice %arg2[%add3A_4, %dma_start3A_6] : memref<8192x2048xf32, #tpu.memory_space<hbm>> -> memref<8x2048xf32, #tpu.memory_space<hbm>>
    tpu.enqueue_dma source(%dma_start3A_7 : memref<8x2048xf32, #tpu.memory_space<hbm>>) target(%arg10 : memref<8x2048xf32, #tpu.memory_space<vmem>>) target_semaphore(%arg16 : memref<!tpu.dma_semaphore, #tpu.memory_space<semaphore_mem>>)
    "tpu.region"() ({
      %run_scoped3A = tpu.sem_alloc : memref<!tpu.dma_semaphore, #tpu.memory_space<semaphore_mem>>
      %dma_start3A_39 = tpu.memref_slice %arg3[%mul3A_2] : memref<8192xi32, #tpu.memory_space<hbm>> -> memref<256xi32, #tpu.memory_space<hbm>>
      %dma_start3A_40 = tpu.memref_slice %arg3[%mul3A_2] : memref<8192xi32, #tpu.memory_space<hbm>> -> memref<256xi32, #tpu.memory_space<hbm>>
      tpu.enqueue_dma source(%dma_start3A_40 : memref<256xi32, #tpu.memory_space<hbm>>) target(%arg6 : memref<256xi32, #tpu.memory_space<vmem>>) target_semaphore(%run_scoped3A : memref<!tpu.dma_semaphore, #tpu.memory_space<semaphore_mem>>)
      %dma_wait3A_41 = tpu.memref_slice %arg3[%mul3A_2] : memref<8192xi32, #tpu.memory_space<hbm>> -> memref<256xi32, #tpu.memory_space<hbm>>
      %dma_wait3A_42 = tpu.memref_slice %arg3[%mul3A_2] : memref<8192xi32, #tpu.memory_space<hbm>> -> memref<256xi32, #tpu.memory_space<hbm>>
      tpu.wait_dma2 semaphore(%run_scoped3A : memref<!tpu.dma_semaphore, #tpu.memory_space<semaphore_mem>>) src(%dma_wait3A_42 : memref<256xi32, #tpu.memory_space<hbm>>) dst(%arg6 : memref<256xi32, #tpu.memory_space<vmem>>)
      tpu.yield
    }) : () -> ()
    %dma_start3A_8 = arith.constant 0 : i32
    %dma_start3A_9 = tpu.memref_slice %arg6[%dma_start3A_8] : memref<256xi32, #tpu.memory_space<vmem>> -> memref<8xi32, #tpu.memory_space<vmem>>
    %dma_start3A_10 = arith.constant 0 : i32
    %dma_start3A_11 = arith.constant 0 : i32
    %dma_start3A_12 = tpu.memref_slice %arg4[%dma_start3A_10, %dma_start3A_11] : memref<4096x2048xf32, #tpu.memory_space<hbm>> -> memref<4096x2048xf32, #tpu.memory_space<hbm>>
    tpu.enqueue_indirect_dma source(%dma_start3A_12 : memref<4096x2048xf32, #tpu.memory_space<hbm>>) target(%arg7 : memref<8x2048xf32, #tpu.memory_space<vmem>>) offsets(%dma_start3A_9 : memref<8xi32, #tpu.memory_space<vmem>>) semaphore(%arg13 : memref<!tpu.dma_semaphore, #tpu.memory_space<semaphore_mem>>)
    %dma_start3A_13 = arith.constant 8 : i32
    %dma_start3A_14 = tpu.memref_slice %arg6[%dma_start3A_13] : memref<256xi32, #tpu.memory_space<vmem>> -> memref<8xi32, #tpu.memory_space<vmem>>
    %dma_start3A_15 = arith.constant 0 : i32
    %dma_start3A_16 = arith.constant 0 : i32
    %dma_start3A_17 = tpu.memref_slice %arg4[%dma_start3A_15, %dma_start3A_16] : memref<4096x2048xf32, #tpu.memory_space<hbm>> -> memref<4096x2048xf32, #tpu.memory_space<hbm>>
    tpu.enqueue_indirect_dma source(%dma_start3A_17 : memref<4096x2048xf32, #tpu.memory_space<hbm>>) target(%arg8 : memref<8x2048xf32, #tpu.memory_space<vmem>>) offsets(%dma_start3A_14 : memref<8xi32, #tpu.memory_space<vmem>>) semaphore(%arg14 : memref<!tpu.dma_semaphore, #tpu.memory_space<semaphore_mem>>)
    %scan3A = arith.constant 0 : i32
    %scan3A_18 = arith.constant 11 : i32
    %scan3A_19 = arith.addi %scan3A, %scan3A_18 : i32
    %scan3A_20 = arith.constant 1 : i32
    scf.for %scan3A_39 = %scan3A to %scan3A_19 step %scan3A_20  : i32 {
      %mul3A_40 = arith.constant 3 : i32
      %mul3A_41 = arith.muli %scan3A_39, %mul3A_40 : i32
      %add3A_42 = arith.constant 0 : i32
      %add3A_43 = arith.addi %add3A_42, %mul3A_41 : i32
      %add3A_44 = arith.constant 0 : i32
      %add3A_45 = arith.addi %add3A_43, %add3A_44 : i32
      %lt3A = arith.constant 32 : i32
      %lt3A_46 = arith.cmpi slt, %add3A_45, %lt3A : i32
      %convert_element_type3A = arith.extui %lt3A_46 : i1 to i32
      %cond3A = arith.constant 0 : i32
      %cond3A_47 = arith.cmpi ne, %convert_element_type3A, %cond3A : i32
      scf.if %cond3A_47 {
        %add3A_62 = arith.constant 2 : i32
        %add3A_63 = arith.addi %add3A_45, %add3A_62 : i32
        %lt3A_64 = arith.constant 32 : i32
        %lt3A_65 = arith.cmpi slt, %add3A_63, %lt3A_64 : i32
        %convert_element_type3A_66 = arith.extui %lt3A_65 : i1 to i32
        %cond3A_67 = arith.constant 0 : i32
        %cond3A_68 = arith.cmpi ne, %convert_element_type3A_66, %cond3A_67 : i32
        scf.if %cond3A_68 {
          %add3A_119 = arith.constant 2 : i32
          %add3A_120 = arith.addi %add3A_45, %add3A_119 : i32
          %mul3A_121 = arith.constant 8 : i32
          %mul3A_122 = arith.muli %add3A_120, %mul3A_121 : i32
          %dma_start3A_123 = tpu.memref_slice %arg6[%mul3A_122] : memref<256xi32, #tpu.memory_space<vmem>> -> memref<8xi32, #tpu.memory_space<vmem>>
          %dma_start3A_124 = arith.constant 0 : i32
          %dma_start3A_125 = arith.constant 0 : i32
          %dma_start3A_126 = tpu.memref_slice %arg4[%dma_start3A_124, %dma_start3A_125] : memref<4096x2048xf32, #tpu.memory_space<hbm>> -> memref<4096x2048xf32, #tpu.memory_space<hbm>>
          tpu.enqueue_indirect_dma source(%dma_start3A_126 : memref<4096x2048xf32, #tpu.memory_space<hbm>>) target(%arg9 : memref<8x2048xf32, #tpu.memory_space<vmem>>) offsets(%dma_start3A_123 : memref<8xi32, #tpu.memory_space<vmem>>) semaphore(%arg15 : memref<!tpu.dma_semaphore, #tpu.memory_space<semaphore_mem>>)
        } else {
        }
        %add3A_69 = arith.constant 1 : i32
        %add3A_70 = arith.addi %add3A_45, %add3A_69 : i32
        %lt3A_71 = arith.constant 32 : i32
        %lt3A_72 = arith.cmpi slt, %add3A_70, %lt3A_71 : i32
        %convert_element_type3A_73 = arith.extui %lt3A_72 : i1 to i32
        %cond3A_74 = arith.constant 0 : i32
        %cond3A_75 = arith.cmpi ne, %convert_element_type3A_73, %cond3A_74 : i32
        scf.if %cond3A_75 {
          %ge3A = arith.constant 2 : i32
          %ge3A_119 = arith.cmpi sge, %add3A_45, %ge3A : i32
          %convert_element_type3A_120 = arith.extui %ge3A_119 : i1 to i32
          %cond3A_121 = arith.constant 0 : i32
          %cond3A_122 = arith.cmpi ne, %convert_element_type3A_120, %cond3A_121 : i32
          scf.if %cond3A_122 {
            %sub3A = arith.constant 2 : i32
            %sub3A_132 = arith.subi %add3A_45, %sub3A : i32
            %mul3A_133 = arith.constant 8 : i32
            %mul3A_134 = arith.muli %sub3A_132, %mul3A_133 : i32
            %add3A_135 = arith.addi %mul3A_2, %mul3A_134 : i32
            %dma_wait3A_136 = arith.constant 0 : i32
            %dma_wait3A_137 = tpu.memref_slice %arg5[%add3A_135, %dma_wait3A_136] : memref<8192x2048xf32, #tpu.memory_space<hbm>> -> memref<8x2048xf32, #tpu.memory_space<hbm>>
            %dma_wait3A_138 = arith.constant 0 : i32
            %dma_wait3A_139 = tpu.memref_slice %arg5[%add3A_135, %dma_wait3A_138] : memref<8192x2048xf32, #tpu.memory_space<hbm>> -> memref<8x2048xf32, #tpu.memory_space<hbm>>
            tpu.wait_dma2 semaphore(%arg20 : memref<!tpu.dma_semaphore, #tpu.memory_space<semaphore_mem>>) src(%arg11 : memref<8x2048xf32, #tpu.memory_space<vmem>>) dst(%dma_wait3A_139 : memref<8x2048xf32, #tpu.memory_space<hbm>>)
          } else {
          }
          %add3A_123 = arith.constant 1 : i32
          %add3A_124 = arith.addi %add3A_45, %add3A_123 : i32
          %mul3A_125 = arith.constant 8 : i32
          %mul3A_126 = arith.muli %add3A_124, %mul3A_125 : i32
          %add3A_127 = arith.addi %mul3A_2, %mul3A_126 : i32
          %dma_start3A_128 = arith.constant 0 : i32
          %dma_start3A_129 = tpu.memref_slice %arg2[%add3A_127, %dma_start3A_128] : memref<8192x2048xf32, #tpu.memory_space<hbm>> -> memref<8x2048xf32, #tpu.memory_space<hbm>>
          %dma_start3A_130 = arith.constant 0 : i32
          %dma_start3A_131 = tpu.memref_slice %arg2[%add3A_127, %dma_start3A_130] : memref<8192x2048xf32, #tpu.memory_space<hbm>> -> memref<8x2048xf32, #tpu.memory_space<hbm>>
          tpu.enqueue_dma source(%dma_start3A_131 : memref<8x2048xf32, #tpu.memory_space<hbm>>) target(%arg11 : memref<8x2048xf32, #tpu.memory_space<vmem>>) target_semaphore(%arg17 : memref<!tpu.dma_semaphore, #tpu.memory_space<semaphore_mem>>)
        } else {
        }
        %mul3A_76 = arith.constant 8 : i32
        %mul3A_77 = arith.muli %add3A_45, %mul3A_76 : i32
        %dma_wait3A_78 = tpu.memref_slice %arg6[%mul3A_77] : memref<256xi32, #tpu.memory_space<vmem>> -> memref<8xi32, #tpu.memory_space<vmem>>
        %dma_wait3A_79 = arith.constant 0 : i32
        %dma_wait3A_80 = arith.constant 0 : i32
        %dma_wait3A_81 = tpu.memref_slice %arg4[%dma_wait3A_79, %dma_wait3A_80] : memref<4096x2048xf32, #tpu.memory_space<hbm>> -> memref<4096x2048xf32, #tpu.memory_space<hbm>>
        tpu.wait_indirect_dma semaphore(%arg13 : memref<!tpu.dma_semaphore, #tpu.memory_space<semaphore_mem>>) src(%dma_wait3A_81 : memref<4096x2048xf32, #tpu.memory_space<hbm>>) dst(%arg7 : memref<8x2048xf32, #tpu.memory_space<vmem>>)
        %mul3A_82 = arith.constant 8 : i32
        %mul3A_83 = arith.muli %add3A_45, %mul3A_82 : i32
        %add3A_84 = arith.addi %mul3A_2, %mul3A_83 : i32
        %dma_wait3A_85 = arith.constant 0 : i32
        %dma_wait3A_86 = tpu.memref_slice %arg2[%add3A_84, %dma_wait3A_85] : memref<8192x2048xf32, #tpu.memory_space<hbm>> -> memref<8x2048xf32, #tpu.memory_space<hbm>>
        %dma_wait3A_87 = arith.constant 0 : i32
        %dma_wait3A_88 = tpu.memref_slice %arg2[%add3A_84, %dma_wait3A_87] : memref<8192x2048xf32, #tpu.memory_space<hbm>> -> memref<8x2048xf32, #tpu.memory_space<hbm>>
        tpu.wait_dma2 semaphore(%arg16 : memref<!tpu.dma_semaphore, #tpu.memory_space<semaphore_mem>>) src(%dma_wait3A_88 : memref<8x2048xf32, #tpu.memory_space<hbm>>) dst(%arg10 : memref<8x2048xf32, #tpu.memory_space<vmem>>)
        %parallel_loop3A = arith.constant 0 : i32
        %parallel_loop3A_89 = arith.constant 128 : i32
        %parallel_loop3A_90 = arith.constant 1 : i32
        scf.for %parallel_loop3A_119 = %parallel_loop3A to %parallel_loop3A_89 step %parallel_loop3A_90  : i32 {
          %parallel_loop3A_120 = arith.constant 16 : i32
          %parallel_loop3A_121 = arith.muli %parallel_loop3A_119, %parallel_loop3A_120 : i32
          %parallel_loop3A_122 = arith.constant 0 : i32
          %parallel_loop3A_123 = arith.index_cast %parallel_loop3A_122 : i32 to index
          %parallel_loop3A_124 = arith.index_cast %parallel_loop3A_121 : i32 to index
          %parallel_loop3A_125 = tpu.vector_load %arg7[%parallel_loop3A_123, %parallel_loop3A_124] {strides = array<i32>} : memref<8x2048xf32, #tpu.memory_space<vmem>>, vector<1x16xf32>,
          %parallel_loop3A_126 = vector.shape_cast %parallel_loop3A_125 : vector<1x16xf32> to vector<16xf32>
          %parallel_loop3A_127 = arith.constant 0 : i32
          %parallel_loop3A_128 = arith.index_cast %parallel_loop3A_127 : i32 to index
          %parallel_loop3A_129 = arith.index_cast %parallel_loop3A_121 : i32 to index
          %parallel_loop3A_130 = tpu.vector_load %arg10[%parallel_loop3A_128, %parallel_loop3A_129] {strides = array<i32>} : memref<8x2048xf32, #tpu.memory_space<vmem>>, vector<1x16xf32>,
          %parallel_loop3A_131 = vector.shape_cast %parallel_loop3A_130 : vector<1x16xf32> to vector<16xf32>
          %parallel_loop3A_132 = vector.shape_cast %parallel_loop3A_126 : vector<16xf32> to vector<1x16xf32>
          tpu.vector_store %arg10[%parallel_loop3A_128, %parallel_loop3A_129], %parallel_loop3A_132 {add = true, strides = array<i32>} : memref<8x2048xf32, #tpu.memory_space<vmem>>, vector<1x16xf32>,
        } {sc.loop_unroll_factor = 8 : i64, sc.parallel_access}
        %parallel_loop3A_91 = arith.constant 0 : i32
        %parallel_loop3A_92 = arith.constant 128 : i32
        %parallel_loop3A_93 = arith.constant 1 : i32
        scf.for %parallel_loop3A_119 = %parallel_loop3A_91 to %parallel_loop3A_92 step %parallel_loop3A_93  : i32 {
          %parallel_loop3A_120 = arith.constant 16 : i32
          %parallel_loop3A_121 = arith.muli %parallel_loop3A_119, %parallel_loop3A_120 : i32
          %parallel_loop3A_122 = arith.constant 1 : i32
          %parallel_loop3A_123 = arith.index_cast %parallel_loop3A_122 : i32 to index
          %parallel_loop3A_124 = arith.index_cast %parallel_loop3A_121 : i32 to index
          %parallel_loop3A_125 = tpu.vector_load %arg7[%parallel_loop3A_123, %parallel_loop3A_124] {strides = array<i32>} : memref<8x2048xf32, #tpu.memory_space<vmem>>, vector<1x16xf32>,
          %parallel_loop3A_126 = vector.shape_cast %parallel_loop3A_125 : vector<1x16xf32> to vector<16xf32>
          %parallel_loop3A_127 = arith.constant 1 : i32
          %parallel_loop3A_128 = arith.index_cast %parallel_loop3A_127 : i32 to index
          %parallel_loop3A_129 = arith.index_cast %parallel_loop3A_121 : i32 to index
          %parallel_loop3A_130 = tpu.vector_load %arg10[%parallel_loop3A_128, %parallel_loop3A_129] {strides = array<i32>} : memref<8x2048xf32, #tpu.memory_space<vmem>>, vector<1x16xf32>,
          %parallel_loop3A_131 = vector.shape_cast %parallel_loop3A_130 : vector<1x16xf32> to vector<16xf32>
          %parallel_loop3A_132 = vector.shape_cast %parallel_loop3A_126 : vector<16xf32> to vector<1x16xf32>
          tpu.vector_store %arg10[%parallel_loop3A_128, %parallel_loop3A_129], %parallel_loop3A_132 {add = true, strides = array<i32>} : memref<8x2048xf32, #tpu.memory_space<vmem>>, vector<1x16xf32>,
        } {sc.loop_unroll_factor = 8 : i64, sc.parallel_access}
        %parallel_loop3A_94 = arith.constant 0 : i32
        %parallel_loop3A_95 = arith.constant 128 : i32
        %parallel_loop3A_96 = arith.constant 1 : i32
        scf.for %parallel_loop3A_119 = %parallel_loop3A_94 to %parallel_loop3A_95 step %parallel_loop3A_96  : i32 {
          %parallel_loop3A_120 = arith.constant 16 : i32
          %parallel_loop3A_121 = arith.muli %parallel_loop3A_119, %parallel_loop3A_120 : i32
          %parallel_loop3A_122 = arith.constant 2 : i32
          %parallel_loop3A_123 = arith.index_cast %parallel_loop3A_122 : i32 to index
          %parallel_loop3A_124 = arith.index_cast %parallel_loop3A_121 : i32 to index
          %parallel_loop3A_125 = tpu.vector_load %arg7[%parallel_loop3A_123, %parallel_loop3A_124] {strides = array<i32>} : memref<8x2048xf32, #tpu.memory_space<vmem>>, vector<1x16xf32>,
          %parallel_loop3A_126 = vector.shape_cast %parallel_loop3A_125 : vector<1x16xf32> to vector<16xf32>
          %parallel_loop3A_127 = arith.constant 2 : i32
          %parallel_loop3A_128 = arith.index_cast %parallel_loop3A_127 : i32 to index
          %parallel_loop3A_129 = arith.index_cast %parallel_loop3A_121 : i32 to index
          %parallel_loop3A_130 = tpu.vector_load %arg10[%parallel_loop3A_128, %parallel_loop3A_129] {strides = array<i32>} : memref<8x2048xf32, #tpu.memory_space<vmem>>, vector<1x16xf32>,
          %parallel_loop3A_131 = vector.shape_cast %parallel_loop3A_130 : vector<1x16xf32> to vector<16xf32>
          %parallel_loop3A_132 = vector.shape_cast %parallel_loop3A_126 : vector<16xf32> to vector<1x16xf32>
          tpu.vector_store %arg10[%parallel_loop3A_128, %parallel_loop3A_129], %parallel_loop3A_132 {add = true, strides = array<i32>} : memref<8x2048xf32, #tpu.memory_space<vmem>>, vector<1x16xf32>,
        } {sc.loop_unroll_factor = 8 : i64, sc.parallel_access}
        %parallel_loop3A_97 = arith.constant 0 : i32
        %parallel_loop3A_98 = arith.constant 128 : i32
        %parallel_loop3A_99 = arith.constant 1 : i32
        scf.for %parallel_loop3A_119 = %parallel_loop3A_97 to %parallel_loop3A_98 step %parallel_loop3A_99  : i32 {
          %parallel_loop3A_120 = arith.constant 16 : i32
          %parallel_loop3A_121 = arith.muli %parallel_loop3A_119, %parallel_loop3A_120 : i32
          %parallel_loop3A_122 = arith.constant 3 : i32
          %parallel_loop3A_123 = arith.index_cast %parallel_loop3A_122 : i32 to index
          %parallel_loop3A_124 = arith.index_cast %parallel_loop3A_121 : i32 to index
          %parallel_loop3A_125 = tpu.vector_load %arg7[%parallel_loop3A_123, %parallel_loop3A_124] {strides = array<i32>} : memref<8x2048xf32, #tpu.memory_space<vmem>>, vector<1x16xf32>,
          %parallel_loop3A_126 = vector.shape_cast %parallel_loop3A_125 : vector<1x16xf32> to vector<16xf32>
          %parallel_loop3A_127 = arith.constant 3 : i32
          %parallel_loop3A_128 = arith.index_cast %parallel_loop3A_127 : i32 to index
          %parallel_loop3A_129 = arith.index_cast %parallel_loop3A_121 : i32 to index
          %parallel_loop3A_130 = tpu.vector_load %arg10[%parallel_loop3A_128, %parallel_loop3A_129] {strides = array<i32>} : memref<8x2048xf32, #tpu.memory_space<vmem>>, vector<1x16xf32>,
          %parallel_loop3A_131 = vector.shape_cast %parallel_loop3A_130 : vector<1x16xf32> to vector<16xf32>
          %parallel_loop3A_132 = vector.shape_cast %parallel_loop3A_126 : vector<16xf32> to vector<1x16xf32>
          tpu.vector_store %arg10[%parallel_loop3A_128, %parallel_loop3A_129], %parallel_loop3A_132 {add = true, strides = array<i32>} : memref<8x2048xf32, #tpu.memory_space<vmem>>, vector<1x16xf32>,
        } {sc.loop_unroll_factor = 8 : i64, sc.parallel_access}
        %parallel_loop3A_100 = arith.constant 0 : i32
        %parallel_loop3A_101 = arith.constant 128 : i32
        %parallel_loop3A_102 = arith.constant 1 : i32
        scf.for %parallel_loop3A_119 = %parallel_loop3A_100 to %parallel_loop3A_101 step %parallel_loop3A_102  : i32 {
          %parallel_loop3A_120 = arith.constant 16 : i32
          %parallel_loop3A_121 = arith.muli %parallel_loop3A_119, %parallel_loop3A_120 : i32
          %parallel_loop3A_122 = arith.constant 4 : i32
          %parallel_loop3A_123 = arith.index_cast %parallel_loop3A_122 : i32 to index
          %parallel_loop3A_124 = arith.index_cast %parallel_loop3A_121 : i32 to index
          %parallel_loop3A_125 = tpu.vector_load %arg7[%parallel_loop3A_123, %parallel_loop3A_124] {strides = array<i32>} : memref<8x2048xf32, #tpu.memory_space<vmem>>, vector<1x16xf32>,
          %parallel_loop3A_126 = vector.shape_cast %parallel_loop3A_125 : vector<1x16xf32> to vector<16xf32>
          %parallel_loop3A_127 = arith.constant 4 : i32
          %parallel_loop3A_128 = arith.index_cast %parallel_loop3A_127 : i32 to index
          %parallel_loop3A_129 = arith.index_cast %parallel_loop3A_121 : i32 to index
          %parallel_loop3A_130 = tpu.vector_load %arg10[%parallel_loop3A_128, %parallel_loop3A_129] {strides = array<i32>} : memref<8x2048xf32, #tpu.memory_space<vmem>>, vector<1x16xf32>,
          %parallel_loop3A_131 = vector.shape_cast %parallel_loop3A_130 : vector<1x16xf32> to vector<16xf32>
          %parallel_loop3A_132 = vector.shape_cast %parallel_loop3A_126 : vector<16xf32> to vector<1x16xf32>
          tpu.vector_store %arg10[%parallel_loop3A_128, %parallel_loop3A_129], %parallel_loop3A_132 {add = true, strides = array<i32>} : memref<8x2048xf32, #tpu.memory_space<vmem>>, vector<1x16xf32>,
        } {sc.loop_unroll_factor = 8 : i64, sc.parallel_access}
        %parallel_loop3A_103 = arith.constant 0 : i32
        %parallel_loop3A_104 = arith.constant 128 : i32
        %parallel_loop3A_105 = arith.constant 1 : i32
        scf.for %parallel_loop3A_119 = %parallel_loop3A_103 to %parallel_loop3A_104 step %parallel_loop3A_105  : i32 {
          %parallel_loop3A_120 = arith.constant 16 : i32
          %parallel_loop3A_121 = arith.muli %parallel_loop3A_119, %parallel_loop3A_120 : i32
          %parallel_loop3A_122 = arith.constant 5 : i32
          %parallel_loop3A_123 = arith.index_cast %parallel_loop3A_122 : i32 to index
          %parallel_loop3A_124 = arith.index_cast %parallel_loop3A_121 : i32 to index
          %parallel_loop3A_125 = tpu.vector_load %arg7[%parallel_loop3A_123, %parallel_loop3A_124] {strides = array<i32>} : memref<8x2048xf32, #tpu.memory_space<vmem>>, vector<1x16xf32>,
          %parallel_loop3A_126 = vector.shape_cast %parallel_loop3A_125 : vector<1x16xf32> to vector<16xf32>
          %parallel_loop3A_127 = arith.constant 5 : i32
          %parallel_loop3A_128 = arith.index_cast %parallel_loop3A_127 : i32 to index
          %parallel_loop3A_129 = arith.index_cast %parallel_loop3A_121 : i32 to index
          %parallel_loop3A_130 = tpu.vector_load %arg10[%parallel_loop3A_128, %parallel_loop3A_129] {strides = array<i32>} : memref<8x2048xf32, #tpu.memory_space<vmem>>, vector<1x16xf32>,
          %parallel_loop3A_131 = vector.shape_cast %parallel_loop3A_130 : vector<1x16xf32> to vector<16xf32>
          %parallel_loop3A_132 = vector.shape_cast %parallel_loop3A_126 : vector<16xf32> to vector<1x16xf32>
          tpu.vector_store %arg10[%parallel_loop3A_128, %parallel_loop3A_129], %parallel_loop3A_132 {add = true, strides = array<i32>} : memref<8x2048xf32, #tpu.memory_space<vmem>>, vector<1x16xf32>,
        } {sc.loop_unroll_factor = 8 : i64, sc.parallel_access}
        %parallel_loop3A_106 = arith.constant 0 : i32
        %parallel_loop3A_107 = arith.constant 128 : i32
        %parallel_loop3A_108 = arith.constant 1 : i32
        scf.for %parallel_loop3A_119 = %parallel_loop3A_106 to %parallel_loop3A_107 step %parallel_loop3A_108  : i32 {
          %parallel_loop3A_120 = arith.constant 16 : i32
          %parallel_loop3A_121 = arith.muli %parallel_loop3A_119, %parallel_loop3A_120 : i32
          %parallel_loop3A_122 = arith.constant 6 : i32
          %parallel_loop3A_123 = arith.index_cast %parallel_loop3A_122 : i32 to index
          %parallel_loop3A_124 = arith.index_cast %parallel_loop3A_121 : i32 to index
          %parallel_loop3A_125 = tpu.vector_load %arg7[%parallel_loop3A_123, %parallel_loop3A_124] {strides = array<i32>} : memref<8x2048xf32, #tpu.memory_space<vmem>>, vector<1x16xf32>,
          %parallel_loop3A_126 = vector.shape_cast %parallel_loop3A_125 : vector<1x16xf32> to vector<16xf32>
          %parallel_loop3A_127 = arith.constant 6 : i32
          %parallel_loop3A_128 = arith.index_cast %parallel_loop3A_127 : i32 to index
          %parallel_loop3A_129 = arith.index_cast %parallel_loop3A_121 : i32 to index
          %parallel_loop3A_130 = tpu.vector_load %arg10[%parallel_loop3A_128, %parallel_loop3A_129] {strides = array<i32>} : memref<8x2048xf32, #tpu.memory_space<vmem>>, vector<1x16xf32>,
          %parallel_loop3A_131 = vector.shape_cast %parallel_loop3A_130 : vector<1x16xf32> to vector<16xf32>
          %parallel_loop3A_132 = vector.shape_cast %parallel_loop3A_126 : vector<16xf32> to vector<1x16xf32>
          tpu.vector_store %arg10[%parallel_loop3A_128, %parallel_loop3A_129], %parallel_loop3A_132 {add = true, strides = array<i32>} : memref<8x2048xf32, #tpu.memory_space<vmem>>, vector<1x16xf32>,
        } {sc.loop_unroll_factor = 8 : i64, sc.parallel_access}
        %parallel_loop3A_109 = arith.constant 0 : i32
        %parallel_loop3A_110 = arith.constant 128 : i32
        %parallel_loop3A_111 = arith.constant 1 : i32
        scf.for %parallel_loop3A_119 = %parallel_loop3A_109 to %parallel_loop3A_110 step %parallel_loop3A_111  : i32 {
          %parallel_loop3A_120 = arith.constant 16 : i32
          %parallel_loop3A_121 = arith.muli %parallel_loop3A_119, %parallel_loop3A_120 : i32
          %parallel_loop3A_122 = arith.constant 7 : i32
          %parallel_loop3A_123 = arith.index_cast %parallel_loop3A_122 : i32 to index
          %parallel_loop3A_124 = arith.index_cast %parallel_loop3A_121 : i32 to index
          %parallel_loop3A_125 = tpu.vector_load %arg7[%parallel_loop3A_123, %parallel_loop3A_124] {strides = array<i32>} : memref<8x2048xf32, #tpu.memory_space<vmem>>, vector<1x16xf32>,
          %parallel_loop3A_126 = vector.shape_cast %parallel_loop3A_125 : vector<1x16xf32> to vector<16xf32>
          %parallel_loop3A_127 = arith.constant 7 : i32
          %parallel_loop3A_128 = arith.index_cast %parallel_loop3A_127 : i32 to index
          %parallel_loop3A_129 = arith.index_cast %parallel_loop3A_121 : i32 to index
          %parallel_loop3A_130 = tpu.vector_load %arg10[%parallel_loop3A_128, %parallel_loop3A_129] {strides = array<i32>} : memref<8x2048xf32, #tpu.memory_space<vmem>>, vector<1x16xf32>,
          %parallel_loop3A_131 = vector.shape_cast %parallel_loop3A_130 : vector<1x16xf32> to vector<16xf32>
          %parallel_loop3A_132 = vector.shape_cast %parallel_loop3A_126 : vector<16xf32> to vector<1x16xf32>
          tpu.vector_store %arg10[%parallel_loop3A_128, %parallel_loop3A_129], %parallel_loop3A_132 {add = true, strides = array<i32>} : memref<8x2048xf32, #tpu.memory_space<vmem>>, vector<1x16xf32>,
        } {sc.loop_unroll_factor = 8 : i64, sc.parallel_access}
        %mul3A_112 = arith.constant 8 : i32
        %mul3A_113 = arith.muli %add3A_45, %mul3A_112 : i32
        %add3A_114 = arith.addi %mul3A_2, %mul3A_113 : i32
        %dma_start3A_115 = arith.constant 0 : i32
        %dma_start3A_116 = tpu.memref_slice %arg5[%add3A_114, %dma_start3A_115] : memref<8192x2048xf32, #tpu.memory_space<hbm>> -> memref<8x2048xf32, #tpu.memory_space<hbm>>
        %dma_start3A_117 = arith.constant 0 : i32
        %dma_start3A_118 = tpu.memref_slice %arg5[%add3A_114, %dma_start3A_117] : memref<8192x2048xf32, #tpu.memory_space<hbm>> -> memref<8x2048xf32, #tpu.memory_space<hbm>>
        tpu.enqueue_dma source(%arg10 : memref<8x2048xf32, #tpu.memory_space<vmem>>) target(%dma_start3A_118 : memref<8x2048xf32, #tpu.memory_space<hbm>>) target_semaphore(%arg19 : memref<!tpu.dma_semaphore, #tpu.memory_space<semaphore_mem>>)
      } else {
      }
      %add3A_48 = arith.constant 1 : i32
      %add3A_49 = arith.addi %add3A_43, %add3A_48 : i32
      %lt3A_50 = arith.constant 32 : i32
      %lt3A_51 = arith.cmpi slt, %add3A_49, %lt3A_50 : i32
      %convert_element_type3A_52 = arith.extui %lt3A_51 : i1 to i32
      %cond3A_53 = arith.constant 0 : i32
      %cond3A_54 = arith.cmpi ne, %convert_element_type3A_52, %cond3A_53 : i32
      scf.if %cond3A_54 {
        %add3A_62 = arith.constant 2 : i32
        %add3A_63 = arith.addi %add3A_49, %add3A_62 : i32
        %lt3A_64 = arith.constant 32 : i32
        %lt3A_65 = arith.cmpi slt, %add3A_63, %lt3A_64 : i32
        %convert_element_type3A_66 = arith.extui %lt3A_65 : i1 to i32
        %cond3A_67 = arith.constant 0 : i32
        %cond3A_68 = arith.cmpi ne, %convert_element_type3A_66, %cond3A_67 : i32
        scf.if %cond3A_68 {
          %add3A_119 = arith.constant 2 : i32
          %add3A_120 = arith.addi %add3A_49, %add3A_119 : i32
          %mul3A_121 = arith.constant 8 : i32
          %mul3A_122 = arith.muli %add3A_120, %mul3A_121 : i32
          %dma_start3A_123 = tpu.memref_slice %arg6[%mul3A_122] : memref<256xi32, #tpu.memory_space<vmem>> -> memref<8xi32, #tpu.memory_space<vmem>>
          %dma_start3A_124 = arith.constant 0 : i32
          %dma_start3A_125 = arith.constant 0 : i32
          %dma_start3A_126 = tpu.memref_slice %arg4[%dma_start3A_124, %dma_start3A_125] : memref<4096x2048xf32, #tpu.memory_space<hbm>> -> memref<4096x2048xf32, #tpu.memory_space<hbm>>
          tpu.enqueue_indirect_dma source(%dma_start3A_126 : memref<4096x2048xf32, #tpu.memory_space<hbm>>) target(%arg7 : memref<8x2048xf32, #tpu.memory_space<vmem>>) offsets(%dma_start3A_123 : memref<8xi32, #tpu.memory_space<vmem>>) semaphore(%arg13 : memref<!tpu.dma_semaphore, #tpu.memory_space<semaphore_mem>>)
        } else {
        }
        %add3A_69 = arith.constant 1 : i32
        %add3A_70 = arith.addi %add3A_49, %add3A_69 : i32
        %lt3A_71 = arith.constant 32 : i32
        %lt3A_72 = arith.cmpi slt, %add3A_70, %lt3A_71 : i32
        %convert_element_type3A_73 = arith.extui %lt3A_72 : i1 to i32
        %cond3A_74 = arith.constant 0 : i32
        %cond3A_75 = arith.cmpi ne, %convert_element_type3A_73, %cond3A_74 : i32
        scf.if %cond3A_75 {
          %ge3A = arith.constant 2 : i32
          %ge3A_119 = arith.cmpi sge, %add3A_49, %ge3A : i32
          %convert_element_type3A_120 = arith.extui %ge3A_119 : i1 to i32
          %cond3A_121 = arith.constant 0 : i32
          %cond3A_122 = arith.cmpi ne, %convert_element_type3A_120, %cond3A_121 : i32
          scf.if %cond3A_122 {
            %sub3A = arith.constant 2 : i32
            %sub3A_132 = arith.subi %add3A_49, %sub3A : i32
            %mul3A_133 = arith.constant 8 : i32
            %mul3A_134 = arith.muli %sub3A_132, %mul3A_133 : i32
            %add3A_135 = arith.addi %mul3A_2, %mul3A_134 : i32
            %dma_wait3A_136 = arith.constant 0 : i32
            %dma_wait3A_137 = tpu.memref_slice %arg5[%add3A_135, %dma_wait3A_136] : memref<8192x2048xf32, #tpu.memory_space<hbm>> -> memref<8x2048xf32, #tpu.memory_space<hbm>>
            %dma_wait3A_138 = arith.constant 0 : i32
            %dma_wait3A_139 = tpu.memref_slice %arg5[%add3A_135, %dma_wait3A_138] : memref<8192x2048xf32, #tpu.memory_space<hbm>> -> memref<8x2048xf32, #tpu.memory_space<hbm>>
            tpu.wait_dma2 semaphore(%arg21 : memref<!tpu.dma_semaphore, #tpu.memory_space<semaphore_mem>>) src(%arg12 : memref<8x2048xf32, #tpu.memory_space<vmem>>) dst(%dma_wait3A_139 : memref<8x2048xf32, #tpu.memory_space<hbm>>)
          } else {
          }
          %add3A_123 = arith.constant 1 : i32
          %add3A_124 = arith.addi %add3A_49, %add3A_123 : i32
          %mul3A_125 = arith.constant 8 : i32
          %mul3A_126 = arith.muli %add3A_124, %mul3A_125 : i32
          %add3A_127 = arith.addi %mul3A_2, %mul3A_126 : i32
          %dma_start3A_128 = arith.constant 0 : i32
          %dma_start3A_129 = tpu.memref_slice %arg2[%add3A_127, %dma_start3A_128] : memref<8192x2048xf32, #tpu.memory_space<hbm>> -> memref<8x2048xf32, #tpu.memory_space<hbm>>
          %dma_start3A_130 = arith.constant 0 : i32
          %dma_start3A_131 = tpu.memref_slice %arg2[%add3A_127, %dma_start3A_130] : memref<8192x2048xf32, #tpu.memory_space<hbm>> -> memref<8x2048xf32, #tpu.memory_space<hbm>>
          tpu.enqueue_dma source(%dma_start3A_131 : memref<8x2048xf32, #tpu.memory_space<hbm>>) target(%arg12 : memref<8x2048xf32, #tpu.memory_space<vmem>>) target_semaphore(%arg18 : memref<!tpu.dma_semaphore, #tpu.memory_space<semaphore_mem>>)
        } else {
        }
        %mul3A_76 = arith.constant 8 : i32
        %mul3A_77 = arith.muli %add3A_49, %mul3A_76 : i32
        %dma_wait3A_78 = tpu.memref_slice %arg6[%mul3A_77] : memref<256xi32, #tpu.memory_space<vmem>> -> memref<8xi32, #tpu.memory_space<vmem>>
        %dma_wait3A_79 = arith.constant 0 : i32
        %dma_wait3A_80 = arith.constant 0 : i32
        %dma_wait3A_81 = tpu.memref_slice %arg4[%dma_wait3A_79, %dma_wait3A_80] : memref<4096x2048xf32, #tpu.memory_space<hbm>> -> memref<4096x2048xf32, #tpu.memory_space<hbm>>
        tpu.wait_indirect_dma semaphore(%arg14 : memref<!tpu.dma_semaphore, #tpu.memory_space<semaphore_mem>>) src(%dma_wait3A_81 : memref<4096x2048xf32, #tpu.memory_space<hbm>>) dst(%arg8 : memref<8x2048xf32, #tpu.memory_space<vmem>>)
        %mul3A_82 = arith.constant 8 : i32
        %mul3A_83 = arith.muli %add3A_49, %mul3A_82 : i32
        %add3A_84 = arith.addi %mul3A_2, %mul3A_83 : i32
        %dma_wait3A_85 = arith.constant 0 : i32
        %dma_wait3A_86 = tpu.memref_slice %arg2[%add3A_84, %dma_wait3A_85] : memref<8192x2048xf32, #tpu.memory_space<hbm>> -> memref<8x2048xf32, #tpu.memory_space<hbm>>
        %dma_wait3A_87 = arith.constant 0 : i32
        %dma_wait3A_88 = tpu.memref_slice %arg2[%add3A_84, %dma_wait3A_87] : memref<8192x2048xf32, #tpu.memory_space<hbm>> -> memref<8x2048xf32, #tpu.memory_space<hbm>>
        tpu.wait_dma2 semaphore(%arg17 : memref<!tpu.dma_semaphore, #tpu.memory_space<semaphore_mem>>) src(%dma_wait3A_88 : memref<8x2048xf32, #tpu.memory_space<hbm>>) dst(%arg11 : memref<8x2048xf32, #tpu.memory_space<vmem>>)
        %parallel_loop3A = arith.constant 0 : i32
        %parallel_loop3A_89 = arith.constant 128 : i32
        %parallel_loop3A_90 = arith.constant 1 : i32
        scf.for %parallel_loop3A_119 = %parallel_loop3A to %parallel_loop3A_89 step %parallel_loop3A_90  : i32 {
          %parallel_loop3A_120 = arith.constant 16 : i32
          %parallel_loop3A_121 = arith.muli %parallel_loop3A_119, %parallel_loop3A_120 : i32
          %parallel_loop3A_122 = arith.constant 0 : i32
          %parallel_loop3A_123 = arith.index_cast %parallel_loop3A_122 : i32 to index
          %parallel_loop3A_124 = arith.index_cast %parallel_loop3A_121 : i32 to index
          %parallel_loop3A_125 = tpu.vector_load %arg8[%parallel_loop3A_123, %parallel_loop3A_124] {strides = array<i32>} : memref<8x2048xf32, #tpu.memory_space<vmem>>, vector<1x16xf32>,
          %parallel_loop3A_126 = vector.shape_cast %parallel_loop3A_125 : vector<1x16xf32> to vector<16xf32>
          %parallel_loop3A_127 = arith.constant 0 : i32
          %parallel_loop3A_128 = arith.index_cast %parallel_loop3A_127 : i32 to index
          %parallel_loop3A_129 = arith.index_cast %parallel_loop3A_121 : i32 to index
          %parallel_loop3A_130 = tpu.vector_load %arg11[%parallel_loop3A_128, %parallel_loop3A_129] {strides = array<i32>} : memref<8x2048xf32, #tpu.memory_space<vmem>>, vector<1x16xf32>,
          %parallel_loop3A_131 = vector.shape_cast %parallel_loop3A_130 : vector<1x16xf32> to vector<16xf32>
          %parallel_loop3A_132 = vector.shape_cast %parallel_loop3A_126 : vector<16xf32> to vector<1x16xf32>
          tpu.vector_store %arg11[%parallel_loop3A_128, %parallel_loop3A_129], %parallel_loop3A_132 {add = true, strides = array<i32>} : memref<8x2048xf32, #tpu.memory_space<vmem>>, vector<1x16xf32>,
        } {sc.loop_unroll_factor = 8 : i64, sc.parallel_access}
        %parallel_loop3A_91 = arith.constant 0 : i32
        %parallel_loop3A_92 = arith.constant 128 : i32
        %parallel_loop3A_93 = arith.constant 1 : i32
        scf.for %parallel_loop3A_119 = %parallel_loop3A_91 to %parallel_loop3A_92 step %parallel_loop3A_93  : i32 {
          %parallel_loop3A_120 = arith.constant 16 : i32
          %parallel_loop3A_121 = arith.muli %parallel_loop3A_119, %parallel_loop3A_120 : i32
          %parallel_loop3A_122 = arith.constant 1 : i32
          %parallel_loop3A_123 = arith.index_cast %parallel_loop3A_122 : i32 to index
          %parallel_loop3A_124 = arith.index_cast %parallel_loop3A_121 : i32 to index
          %parallel_loop3A_125 = tpu.vector_load %arg8[%parallel_loop3A_123, %parallel_loop3A_124] {strides = array<i32>} : memref<8x2048xf32, #tpu.memory_space<vmem>>, vector<1x16xf32>,
          %parallel_loop3A_126 = vector.shape_cast %parallel_loop3A_125 : vector<1x16xf32> to vector<16xf32>
          %parallel_loop3A_127 = arith.constant 1 : i32
          %parallel_loop3A_128 = arith.index_cast %parallel_loop3A_127 : i32 to index
          %parallel_loop3A_129 = arith.index_cast %parallel_loop3A_121 : i32 to index
          %parallel_loop3A_130 = tpu.vector_load %arg11[%parallel_loop3A_128, %parallel_loop3A_129] {strides = array<i32>} : memref<8x2048xf32, #tpu.memory_space<vmem>>, vector<1x16xf32>,
          %parallel_loop3A_131 = vector.shape_cast %parallel_loop3A_130 : vector<1x16xf32> to vector<16xf32>
          %parallel_loop3A_132 = vector.shape_cast %parallel_loop3A_126 : vector<16xf32> to vector<1x16xf32>
          tpu.vector_store %arg11[%parallel_loop3A_128, %parallel_loop3A_129], %parallel_loop3A_132 {add = true, strides = array<i32>} : memref<8x2048xf32, #tpu.memory_space<vmem>>, vector<1x16xf32>,
        } {sc.loop_unroll_factor = 8 : i64, sc.parallel_access}
        %parallel_loop3A_94 = arith.constant 0 : i32
        %parallel_loop3A_95 = arith.constant 128 : i32
        %parallel_loop3A_96 = arith.constant 1 : i32
        scf.for %parallel_loop3A_119 = %parallel_loop3A_94 to %parallel_loop3A_95 step %parallel_loop3A_96  : i32 {
          %parallel_loop3A_120 = arith.constant 16 : i32
          %parallel_loop3A_121 = arith.muli %parallel_loop3A_119, %parallel_loop3A_120 : i32
          %parallel_loop3A_122 = arith.constant 2 : i32
          %parallel_loop3A_123 = arith.index_cast %parallel_loop3A_122 : i32 to index
          %parallel_loop3A_124 = arith.index_cast %parallel_loop3A_121 : i32 to index
          %parallel_loop3A_125 = tpu.vector_load %arg8[%parallel_loop3A_123, %parallel_loop3A_124] {strides = array<i32>} : memref<8x2048xf32, #tpu.memory_space<vmem>>, vector<1x16xf32>,
          %parallel_loop3A_126 = vector.shape_cast %parallel_loop3A_125 : vector<1x16xf32> to vector<16xf32>
          %parallel_loop3A_127 = arith.constant 2 : i32
          %parallel_loop3A_128 = arith.index_cast %parallel_loop3A_127 : i32 to index
          %parallel_loop3A_129 = arith.index_cast %parallel_loop3A_121 : i32 to index
          %parallel_loop3A_130 = tpu.vector_load %arg11[%parallel_loop3A_128, %parallel_loop3A_129] {strides = array<i32>} : memref<8x2048xf32, #tpu.memory_space<vmem>>, vector<1x16xf32>,
          %parallel_loop3A_131 = vector.shape_cast %parallel_loop3A_130 : vector<1x16xf32> to vector<16xf32>
          %parallel_loop3A_132 = vector.shape_cast %parallel_loop3A_126 : vector<16xf32> to vector<1x16xf32>
          tpu.vector_store %arg11[%parallel_loop3A_128, %parallel_loop3A_129], %parallel_loop3A_132 {add = true, strides = array<i32>} : memref<8x2048xf32, #tpu.memory_space<vmem>>, vector<1x16xf32>,
        } {sc.loop_unroll_factor = 8 : i64, sc.parallel_access}
        %parallel_loop3A_97 = arith.constant 0 : i32
        %parallel_loop3A_98 = arith.constant 128 : i32
        %parallel_loop3A_99 = arith.constant 1 : i32
        scf.for %parallel_loop3A_119 = %parallel_loop3A_97 to %parallel_loop3A_98 step %parallel_loop3A_99  : i32 {
          %parallel_loop3A_120 = arith.constant 16 : i32
          %parallel_loop3A_121 = arith.muli %parallel_loop3A_119, %parallel_loop3A_120 : i32
          %parallel_loop3A_122 = arith.constant 3 : i32
          %parallel_loop3A_123 = arith.index_cast %parallel_loop3A_122 : i32 to index
          %parallel_loop3A_124 = arith.index_cast %parallel_loop3A_121 : i32 to index
          %parallel_loop3A_125 = tpu.vector_load %arg8[%parallel_loop3A_123, %parallel_loop3A_124] {strides = array<i32>} : memref<8x2048xf32, #tpu.memory_space<vmem>>, vector<1x16xf32>,
          %parallel_loop3A_126 = vector.shape_cast %parallel_loop3A_125 : vector<1x16xf32> to vector<16xf32>
          %parallel_loop3A_127 = arith.constant 3 : i32
          %parallel_loop3A_128 = arith.index_cast %parallel_loop3A_127 : i32 to index
          %parallel_loop3A_129 = arith.index_cast %parallel_loop3A_121 : i32 to index
          %parallel_loop3A_130 = tpu.vector_load %arg11[%parallel_loop3A_128, %parallel_loop3A_129] {strides = array<i32>} : memref<8x2048xf32, #tpu.memory_space<vmem>>, vector<1x16xf32>,
          %parallel_loop3A_131 = vector.shape_cast %parallel_loop3A_130 : vector<1x16xf32> to vector<16xf32>
          %parallel_loop3A_132 = vector.shape_cast %parallel_loop3A_126 : vector<16xf32> to vector<1x16xf32>
          tpu.vector_store %arg11[%parallel_loop3A_128, %parallel_loop3A_129], %parallel_loop3A_132 {add = true, strides = array<i32>} : memref<8x2048xf32, #tpu.memory_space<vmem>>, vector<1x16xf32>,
        } {sc.loop_unroll_factor = 8 : i64, sc.parallel_access}
        %parallel_loop3A_100 = arith.constant 0 : i32
        %parallel_loop3A_101 = arith.constant 128 : i32
        %parallel_loop3A_102 = arith.constant 1 : i32
        scf.for %parallel_loop3A_119 = %parallel_loop3A_100 to %parallel_loop3A_101 step %parallel_loop3A_102  : i32 {
          %parallel_loop3A_120 = arith.constant 16 : i32
          %parallel_loop3A_121 = arith.muli %parallel_loop3A_119, %parallel_loop3A_120 : i32
          %parallel_loop3A_122 = arith.constant 4 : i32
          %parallel_loop3A_123 = arith.index_cast %parallel_loop3A_122 : i32 to index
          %parallel_loop3A_124 = arith.index_cast %parallel_loop3A_121 : i32 to index
          %parallel_loop3A_125 = tpu.vector_load %arg8[%parallel_loop3A_123, %parallel_loop3A_124] {strides = array<i32>} : memref<8x2048xf32, #tpu.memory_space<vmem>>, vector<1x16xf32>,
          %parallel_loop3A_126 = vector.shape_cast %parallel_loop3A_125 : vector<1x16xf32> to vector<16xf32>
          %parallel_loop3A_127 = arith.constant 4 : i32
          %parallel_loop3A_128 = arith.index_cast %parallel_loop3A_127 : i32 to index
          %parallel_loop3A_129 = arith.index_cast %parallel_loop3A_121 : i32 to index
          %parallel_loop3A_130 = tpu.vector_load %arg11[%parallel_loop3A_128, %parallel_loop3A_129] {strides = array<i32>} : memref<8x2048xf32, #tpu.memory_space<vmem>>, vector<1x16xf32>,
          %parallel_loop3A_131 = vector.shape_cast %parallel_loop3A_130 : vector<1x16xf32> to vector<16xf32>
          %parallel_loop3A_132 = vector.shape_cast %parallel_loop3A_126 : vector<16xf32> to vector<1x16xf32>
          tpu.vector_store %arg11[%parallel_loop3A_128, %parallel_loop3A_129], %parallel_loop3A_132 {add = true, strides = array<i32>} : memref<8x2048xf32, #tpu.memory_space<vmem>>, vector<1x16xf32>,
        } {sc.loop_unroll_factor = 8 : i64, sc.parallel_access}
        %parallel_loop3A_103 = arith.constant 0 : i32
        %parallel_loop3A_104 = arith.constant 128 : i32
        %parallel_loop3A_105 = arith.constant 1 : i32
        scf.for %parallel_loop3A_119 = %parallel_loop3A_103 to %parallel_loop3A_104 step %parallel_loop3A_105  : i32 {
          %parallel_loop3A_120 = arith.constant 16 : i32
          %parallel_loop3A_121 = arith.muli %parallel_loop3A_119, %parallel_loop3A_120 : i32
          %parallel_loop3A_122 = arith.constant 5 : i32
          %parallel_loop3A_123 = arith.index_cast %parallel_loop3A_122 : i32 to index
          %parallel_loop3A_124 = arith.index_cast %parallel_loop3A_121 : i32 to index
          %parallel_loop3A_125 = tpu.vector_load %arg8[%parallel_loop3A_123, %parallel_loop3A_124] {strides = array<i32>} : memref<8x2048xf32, #tpu.memory_space<vmem>>, vector<1x16xf32>,
          %parallel_loop3A_126 = vector.shape_cast %parallel_loop3A_125 : vector<1x16xf32> to vector<16xf32>
          %parallel_loop3A_127 = arith.constant 5 : i32
          %parallel_loop3A_128 = arith.index_cast %parallel_loop3A_127 : i32 to index
          %parallel_loop3A_129 = arith.index_cast %parallel_loop3A_121 : i32 to index
          %parallel_loop3A_130 = tpu.vector_load %arg11[%parallel_loop3A_128, %parallel_loop3A_129] {strides = array<i32>} : memref<8x2048xf32, #tpu.memory_space<vmem>>, vector<1x16xf32>,
          %parallel_loop3A_131 = vector.shape_cast %parallel_loop3A_130 : vector<1x16xf32> to vector<16xf32>
          %parallel_loop3A_132 = vector.shape_cast %parallel_loop3A_126 : vector<16xf32> to vector<1x16xf32>
          tpu.vector_store %arg11[%parallel_loop3A_128, %parallel_loop3A_129], %parallel_loop3A_132 {add = true, strides = array<i32>} : memref<8x2048xf32, #tpu.memory_space<vmem>>, vector<1x16xf32>,
        } {sc.loop_unroll_factor = 8 : i64, sc.parallel_access}
        %parallel_loop3A_106 = arith.constant 0 : i32
        %parallel_loop3A_107 = arith.constant 128 : i32
        %parallel_loop3A_108 = arith.constant 1 : i32
        scf.for %parallel_loop3A_119 = %parallel_loop3A_106 to %parallel_loop3A_107 step %parallel_loop3A_108  : i32 {
          %parallel_loop3A_120 = arith.constant 16 : i32
          %parallel_loop3A_121 = arith.muli %parallel_loop3A_119, %parallel_loop3A_120 : i32
          %parallel_loop3A_122 = arith.constant 6 : i32
          %parallel_loop3A_123 = arith.index_cast %parallel_loop3A_122 : i32 to index
          %parallel_loop3A_124 = arith.index_cast %parallel_loop3A_121 : i32 to index
          %parallel_loop3A_125 = tpu.vector_load %arg8[%parallel_loop3A_123, %parallel_loop3A_124] {strides = array<i32>} : memref<8x2048xf32, #tpu.memory_space<vmem>>, vector<1x16xf32>,
          %parallel_loop3A_126 = vector.shape_cast %parallel_loop3A_125 : vector<1x16xf32> to vector<16xf32>
          %parallel_loop3A_127 = arith.constant 6 : i32
          %parallel_loop3A_128 = arith.index_cast %parallel_loop3A_127 : i32 to index
          %parallel_loop3A_129 = arith.index_cast %parallel_loop3A_121 : i32 to index
          %parallel_loop3A_130 = tpu.vector_load %arg11[%parallel_loop3A_128, %parallel_loop3A_129] {strides = array<i32>} : memref<8x2048xf32, #tpu.memory_space<vmem>>, vector<1x16xf32>,
          %parallel_loop3A_131 = vector.shape_cast %parallel_loop3A_130 : vector<1x16xf32> to vector<16xf32>
          %parallel_loop3A_132 = vector.shape_cast %parallel_loop3A_126 : vector<16xf32> to vector<1x16xf32>
          tpu.vector_store %arg11[%parallel_loop3A_128, %parallel_loop3A_129], %parallel_loop3A_132 {add = true, strides = array<i32>} : memref<8x2048xf32, #tpu.memory_space<vmem>>, vector<1x16xf32>,
        } {sc.loop_unroll_factor = 8 : i64, sc.parallel_access}
        %parallel_loop3A_109 = arith.constant 0 : i32
        %parallel_loop3A_110 = arith.constant 128 : i32
        %parallel_loop3A_111 = arith.constant 1 : i32
        scf.for %parallel_loop3A_119 = %parallel_loop3A_109 to %parallel_loop3A_110 step %parallel_loop3A_111  : i32 {
          %parallel_loop3A_120 = arith.constant 16 : i32
          %parallel_loop3A_121 = arith.muli %parallel_loop3A_119, %parallel_loop3A_120 : i32
          %parallel_loop3A_122 = arith.constant 7 : i32
          %parallel_loop3A_123 = arith.index_cast %parallel_loop3A_122 : i32 to index
          %parallel_loop3A_124 = arith.index_cast %parallel_loop3A_121 : i32 to index
          %parallel_loop3A_125 = tpu.vector_load %arg8[%parallel_loop3A_123, %parallel_loop3A_124] {strides = array<i32>} : memref<8x2048xf32, #tpu.memory_space<vmem>>, vector<1x16xf32>,
          %parallel_loop3A_126 = vector.shape_cast %parallel_loop3A_125 : vector<1x16xf32> to vector<16xf32>
          %parallel_loop3A_127 = arith.constant 7 : i32
          %parallel_loop3A_128 = arith.index_cast %parallel_loop3A_127 : i32 to index
          %parallel_loop3A_129 = arith.index_cast %parallel_loop3A_121 : i32 to index
          %parallel_loop3A_130 = tpu.vector_load %arg11[%parallel_loop3A_128, %parallel_loop3A_129] {strides = array<i32>} : memref<8x2048xf32, #tpu.memory_space<vmem>>, vector<1x16xf32>,
          %parallel_loop3A_131 = vector.shape_cast %parallel_loop3A_130 : vector<1x16xf32> to vector<16xf32>
          %parallel_loop3A_132 = vector.shape_cast %parallel_loop3A_126 : vector<16xf32> to vector<1x16xf32>
          tpu.vector_store %arg11[%parallel_loop3A_128, %parallel_loop3A_129], %parallel_loop3A_132 {add = true, strides = array<i32>} : memref<8x2048xf32, #tpu.memory_space<vmem>>, vector<1x16xf32>,
        } {sc.loop_unroll_factor = 8 : i64, sc.parallel_access}
        %mul3A_112 = arith.constant 8 : i32
        %mul3A_113 = arith.muli %add3A_49, %mul3A_112 : i32
        %add3A_114 = arith.addi %mul3A_2, %mul3A_113 : i32
        %dma_start3A_115 = arith.constant 0 : i32
        %dma_start3A_116 = tpu.memref_slice %arg5[%add3A_114, %dma_start3A_115] : memref<8192x2048xf32, #tpu.memory_space<hbm>> -> memref<8x2048xf32, #tpu.memory_space<hbm>>
        %dma_start3A_117 = arith.constant 0 : i32
        %dma_start3A_118 = tpu.memref_slice %arg5[%add3A_114, %dma_start3A_117] : memref<8192x2048xf32, #tpu.memory_space<hbm>> -> memref<8x2048xf32, #tpu.memory_space<hbm>>
        tpu.enqueue_dma source(%arg11 : memref<8x2048xf32, #tpu.memory_space<vmem>>) target(%dma_start3A_118 : memref<8x2048xf32, #tpu.memory_space<hbm>>) target_semaphore(%arg20 : memref<!tpu.dma_semaphore, #tpu.memory_space<semaphore_mem>>)
      } else {
      }
      %add3A_55 = arith.constant 2 : i32
      %add3A_56 = arith.addi %add3A_43, %add3A_55 : i32
      %lt3A_57 = arith.constant 32 : i32
      %lt3A_58 = arith.cmpi slt, %add3A_56, %lt3A_57 : i32
      %convert_element_type3A_59 = arith.extui %lt3A_58 : i1 to i32
      %cond3A_60 = arith.constant 0 : i32
      %cond3A_61 = arith.cmpi ne, %convert_element_type3A_59, %cond3A_60 : i32
      scf.if %cond3A_61 {
        %add3A_62 = arith.constant 2 : i32
        %add3A_63 = arith.addi %add3A_56, %add3A_62 : i32
        %lt3A_64 = arith.constant 32 : i32
        %lt3A_65 = arith.cmpi slt, %add3A_63, %lt3A_64 : i32
        %convert_element_type3A_66 = arith.extui %lt3A_65 : i1 to i32
        %cond3A_67 = arith.constant 0 : i32
        %cond3A_68 = arith.cmpi ne, %convert_element_type3A_66, %cond3A_67 : i32
        scf.if %cond3A_68 {
          %add3A_119 = arith.constant 2 : i32
          %add3A_120 = arith.addi %add3A_56, %add3A_119 : i32
          %mul3A_121 = arith.constant 8 : i32
          %mul3A_122 = arith.muli %add3A_120, %mul3A_121 : i32
          %dma_start3A_123 = tpu.memref_slice %arg6[%mul3A_122] : memref<256xi32, #tpu.memory_space<vmem>> -> memref<8xi32, #tpu.memory_space<vmem>>
          %dma_start3A_124 = arith.constant 0 : i32
          %dma_start3A_125 = arith.constant 0 : i32
          %dma_start3A_126 = tpu.memref_slice %arg4[%dma_start3A_124, %dma_start3A_125] : memref<4096x2048xf32, #tpu.memory_space<hbm>> -> memref<4096x2048xf32, #tpu.memory_space<hbm>>
          tpu.enqueue_indirect_dma source(%dma_start3A_126 : memref<4096x2048xf32, #tpu.memory_space<hbm>>) target(%arg8 : memref<8x2048xf32, #tpu.memory_space<vmem>>) offsets(%dma_start3A_123 : memref<8xi32, #tpu.memory_space<vmem>>) semaphore(%arg14 : memref<!tpu.dma_semaphore, #tpu.memory_space<semaphore_mem>>)
        } else {
        }
        %add3A_69 = arith.constant 1 : i32
        %add3A_70 = arith.addi %add3A_56, %add3A_69 : i32
        %lt3A_71 = arith.constant 32 : i32
        %lt3A_72 = arith.cmpi slt, %add3A_70, %lt3A_71 : i32
        %convert_element_type3A_73 = arith.extui %lt3A_72 : i1 to i32
        %cond3A_74 = arith.constant 0 : i32
        %cond3A_75 = arith.cmpi ne, %convert_element_type3A_73, %cond3A_74 : i32
        scf.if %cond3A_75 {
          %ge3A = arith.constant 2 : i32
          %ge3A_119 = arith.cmpi sge, %add3A_56, %ge3A : i32
          %convert_element_type3A_120 = arith.extui %ge3A_119 : i1 to i32
          %cond3A_121 = arith.constant 0 : i32
          %cond3A_122 = arith.cmpi ne, %convert_element_type3A_120, %cond3A_121 : i32
          scf.if %cond3A_122 {
            %sub3A = arith.constant 2 : i32
            %sub3A_132 = arith.subi %add3A_56, %sub3A : i32
            %mul3A_133 = arith.constant 8 : i32
            %mul3A_134 = arith.muli %sub3A_132, %mul3A_133 : i32
            %add3A_135 = arith.addi %mul3A_2, %mul3A_134 : i32
            %dma_wait3A_136 = arith.constant 0 : i32
            %dma_wait3A_137 = tpu.memref_slice %arg5[%add3A_135, %dma_wait3A_136] : memref<8192x2048xf32, #tpu.memory_space<hbm>> -> memref<8x2048xf32, #tpu.memory_space<hbm>>
            %dma_wait3A_138 = arith.constant 0 : i32
            %dma_wait3A_139 = tpu.memref_slice %arg5[%add3A_135, %dma_wait3A_138] : memref<8192x2048xf32, #tpu.memory_space<hbm>> -> memref<8x2048xf32, #tpu.memory_space<hbm>>
            tpu.wait_dma2 semaphore(%arg19 : memref<!tpu.dma_semaphore, #tpu.memory_space<semaphore_mem>>) src(%arg10 : memref<8x2048xf32, #tpu.memory_space<vmem>>) dst(%dma_wait3A_139 : memref<8x2048xf32, #tpu.memory_space<hbm>>)
          } else {
          }
          %add3A_123 = arith.constant 1 : i32
          %add3A_124 = arith.addi %add3A_56, %add3A_123 : i32
          %mul3A_125 = arith.constant 8 : i32
          %mul3A_126 = arith.muli %add3A_124, %mul3A_125 : i32
          %add3A_127 = arith.addi %mul3A_2, %mul3A_126 : i32
          %dma_start3A_128 = arith.constant 0 : i32
          %dma_start3A_129 = tpu.memref_slice %arg2[%add3A_127, %dma_start3A_128] : memref<8192x2048xf32, #tpu.memory_space<hbm>> -> memref<8x2048xf32, #tpu.memory_space<hbm>>
          %dma_start3A_130 = arith.constant 0 : i32
          %dma_start3A_131 = tpu.memref_slice %arg2[%add3A_127, %dma_start3A_130] : memref<8192x2048xf32, #tpu.memory_space<hbm>> -> memref<8x2048xf32, #tpu.memory_space<hbm>>
          tpu.enqueue_dma source(%dma_start3A_131 : memref<8x2048xf32, #tpu.memory_space<hbm>>) target(%arg10 : memref<8x2048xf32, #tpu.memory_space<vmem>>) target_semaphore(%arg16 : memref<!tpu.dma_semaphore, #tpu.memory_space<semaphore_mem>>)
        } else {
        }
        %mul3A_76 = arith.constant 8 : i32
        %mul3A_77 = arith.muli %add3A_56, %mul3A_76 : i32
        %dma_wait3A_78 = tpu.memref_slice %arg6[%mul3A_77] : memref<256xi32, #tpu.memory_space<vmem>> -> memref<8xi32, #tpu.memory_space<vmem>>
        %dma_wait3A_79 = arith.constant 0 : i32
        %dma_wait3A_80 = arith.constant 0 : i32
        %dma_wait3A_81 = tpu.memref_slice %arg4[%dma_wait3A_79, %dma_wait3A_80] : memref<4096x2048xf32, #tpu.memory_space<hbm>> -> memref<4096x2048xf32, #tpu.memory_space<hbm>>
        tpu.wait_indirect_dma semaphore(%arg15 : memref<!tpu.dma_semaphore, #tpu.memory_space<semaphore_mem>>) src(%dma_wait3A_81 : memref<4096x2048xf32, #tpu.memory_space<hbm>>) dst(%arg9 : memref<8x2048xf32, #tpu.memory_space<vmem>>)
        %mul3A_82 = arith.constant 8 : i32
        %mul3A_83 = arith.muli %add3A_56, %mul3A_82 : i32
        %add3A_84 = arith.addi %mul3A_2, %mul3A_83 : i32
        %dma_wait3A_85 = arith.constant 0 : i32
        %dma_wait3A_86 = tpu.memref_slice %arg2[%add3A_84, %dma_wait3A_85] : memref<8192x2048xf32, #tpu.memory_space<hbm>> -> memref<8x2048xf32, #tpu.memory_space<hbm>>
        %dma_wait3A_87 = arith.constant 0 : i32
        %dma_wait3A_88 = tpu.memref_slice %arg2[%add3A_84, %dma_wait3A_87] : memref<8192x2048xf32, #tpu.memory_space<hbm>> -> memref<8x2048xf32, #tpu.memory_space<hbm>>
        tpu.wait_dma2 semaphore(%arg18 : memref<!tpu.dma_semaphore, #tpu.memory_space<semaphore_mem>>) src(%dma_wait3A_88 : memref<8x2048xf32, #tpu.memory_space<hbm>>) dst(%arg12 : memref<8x2048xf32, #tpu.memory_space<vmem>>)
        %parallel_loop3A = arith.constant 0 : i32
        %parallel_loop3A_89 = arith.constant 128 : i32
        %parallel_loop3A_90 = arith.constant 1 : i32
        scf.for %parallel_loop3A_119 = %parallel_loop3A to %parallel_loop3A_89 step %parallel_loop3A_90  : i32 {
          %parallel_loop3A_120 = arith.constant 16 : i32
          %parallel_loop3A_121 = arith.muli %parallel_loop3A_119, %parallel_loop3A_120 : i32
          %parallel_loop3A_122 = arith.constant 0 : i32
          %parallel_loop3A_123 = arith.index_cast %parallel_loop3A_122 : i32 to index
          %parallel_loop3A_124 = arith.index_cast %parallel_loop3A_121 : i32 to index
          %parallel_loop3A_125 = tpu.vector_load %arg9[%parallel_loop3A_123, %parallel_loop3A_124] {strides = array<i32>} : memref<8x2048xf32, #tpu.memory_space<vmem>>, vector<1x16xf32>,
          %parallel_loop3A_126 = vector.shape_cast %parallel_loop3A_125 : vector<1x16xf32> to vector<16xf32>
          %parallel_loop3A_127 = arith.constant 0 : i32
          %parallel_loop3A_128 = arith.index_cast %parallel_loop3A_127 : i32 to index
          %parallel_loop3A_129 = arith.index_cast %parallel_loop3A_121 : i32 to index
          %parallel_loop3A_130 = tpu.vector_load %arg12[%parallel_loop3A_128, %parallel_loop3A_129] {strides = array<i32>} : memref<8x2048xf32, #tpu.memory_space<vmem>>, vector<1x16xf32>,
          %parallel_loop3A_131 = vector.shape_cast %parallel_loop3A_130 : vector<1x16xf32> to vector<16xf32>
          %parallel_loop3A_132 = vector.shape_cast %parallel_loop3A_126 : vector<16xf32> to vector<1x16xf32>
          tpu.vector_store %arg12[%parallel_loop3A_128, %parallel_loop3A_129], %parallel_loop3A_132 {add = true, strides = array<i32>} : memref<8x2048xf32, #tpu.memory_space<vmem>>, vector<1x16xf32>,
        } {sc.loop_unroll_factor = 8 : i64, sc.parallel_access}
        %parallel_loop3A_91 = arith.constant 0 : i32
        %parallel_loop3A_92 = arith.constant 128 : i32
        %parallel_loop3A_93 = arith.constant 1 : i32
        scf.for %parallel_loop3A_119 = %parallel_loop3A_91 to %parallel_loop3A_92 step %parallel_loop3A_93  : i32 {
          %parallel_loop3A_120 = arith.constant 16 : i32
          %parallel_loop3A_121 = arith.muli %parallel_loop3A_119, %parallel_loop3A_120 : i32
          %parallel_loop3A_122 = arith.constant 1 : i32
          %parallel_loop3A_123 = arith.index_cast %parallel_loop3A_122 : i32 to index
          %parallel_loop3A_124 = arith.index_cast %parallel_loop3A_121 : i32 to index
          %parallel_loop3A_125 = tpu.vector_load %arg9[%parallel_loop3A_123, %parallel_loop3A_124] {strides = array<i32>} : memref<8x2048xf32, #tpu.memory_space<vmem>>, vector<1x16xf32>,
          %parallel_loop3A_126 = vector.shape_cast %parallel_loop3A_125 : vector<1x16xf32> to vector<16xf32>
          %parallel_loop3A_127 = arith.constant 1 : i32
          %parallel_loop3A_128 = arith.index_cast %parallel_loop3A_127 : i32 to index
          %parallel_loop3A_129 = arith.index_cast %parallel_loop3A_121 : i32 to index
          %parallel_loop3A_130 = tpu.vector_load %arg12[%parallel_loop3A_128, %parallel_loop3A_129] {strides = array<i32>} : memref<8x2048xf32, #tpu.memory_space<vmem>>, vector<1x16xf32>,
          %parallel_loop3A_131 = vector.shape_cast %parallel_loop3A_130 : vector<1x16xf32> to vector<16xf32>
          %parallel_loop3A_132 = vector.shape_cast %parallel_loop3A_126 : vector<16xf32> to vector<1x16xf32>
          tpu.vector_store %arg12[%parallel_loop3A_128, %parallel_loop3A_129], %parallel_loop3A_132 {add = true, strides = array<i32>} : memref<8x2048xf32, #tpu.memory_space<vmem>>, vector<1x16xf32>,
        } {sc.loop_unroll_factor = 8 : i64, sc.parallel_access}
        %parallel_loop3A_94 = arith.constant 0 : i32
        %parallel_loop3A_95 = arith.constant 128 : i32
        %parallel_loop3A_96 = arith.constant 1 : i32
        scf.for %parallel_loop3A_119 = %parallel_loop3A_94 to %parallel_loop3A_95 step %parallel_loop3A_96  : i32 {
          %parallel_loop3A_120 = arith.constant 16 : i32
          %parallel_loop3A_121 = arith.muli %parallel_loop3A_119, %parallel_loop3A_120 : i32
          %parallel_loop3A_122 = arith.constant 2 : i32
          %parallel_loop3A_123 = arith.index_cast %parallel_loop3A_122 : i32 to index
          %parallel_loop3A_124 = arith.index_cast %parallel_loop3A_121 : i32 to index
          %parallel_loop3A_125 = tpu.vector_load %arg9[%parallel_loop3A_123, %parallel_loop3A_124] {strides = array<i32>} : memref<8x2048xf32, #tpu.memory_space<vmem>>, vector<1x16xf32>,
          %parallel_loop3A_126 = vector.shape_cast %parallel_loop3A_125 : vector<1x16xf32> to vector<16xf32>
          %parallel_loop3A_127 = arith.constant 2 : i32
          %parallel_loop3A_128 = arith.index_cast %parallel_loop3A_127 : i32 to index
          %parallel_loop3A_129 = arith.index_cast %parallel_loop3A_121 : i32 to index
          %parallel_loop3A_130 = tpu.vector_load %arg12[%parallel_loop3A_128, %parallel_loop3A_129] {strides = array<i32>} : memref<8x2048xf32, #tpu.memory_space<vmem>>, vector<1x16xf32>,
          %parallel_loop3A_131 = vector.shape_cast %parallel_loop3A_130 : vector<1x16xf32> to vector<16xf32>
          %parallel_loop3A_132 = vector.shape_cast %parallel_loop3A_126 : vector<16xf32> to vector<1x16xf32>
          tpu.vector_store %arg12[%parallel_loop3A_128, %parallel_loop3A_129], %parallel_loop3A_132 {add = true, strides = array<i32>} : memref<8x2048xf32, #tpu.memory_space<vmem>>, vector<1x16xf32>,
        } {sc.loop_unroll_factor = 8 : i64, sc.parallel_access}
        %parallel_loop3A_97 = arith.constant 0 : i32
        %parallel_loop3A_98 = arith.constant 128 : i32
        %parallel_loop3A_99 = arith.constant 1 : i32
        scf.for %parallel_loop3A_119 = %parallel_loop3A_97 to %parallel_loop3A_98 step %parallel_loop3A_99  : i32 {
          %parallel_loop3A_120 = arith.constant 16 : i32
          %parallel_loop3A_121 = arith.muli %parallel_loop3A_119, %parallel_loop3A_120 : i32
          %parallel_loop3A_122 = arith.constant 3 : i32
          %parallel_loop3A_123 = arith.index_cast %parallel_loop3A_122 : i32 to index
          %parallel_loop3A_124 = arith.index_cast %parallel_loop3A_121 : i32 to index
          %parallel_loop3A_125 = tpu.vector_load %arg9[%parallel_loop3A_123, %parallel_loop3A_124] {strides = array<i32>} : memref<8x2048xf32, #tpu.memory_space<vmem>>, vector<1x16xf32>,
          %parallel_loop3A_126 = vector.shape_cast %parallel_loop3A_125 : vector<1x16xf32> to vector<16xf32>
          %parallel_loop3A_127 = arith.constant 3 : i32
          %parallel_loop3A_128 = arith.index_cast %parallel_loop3A_127 : i32 to index
          %parallel_loop3A_129 = arith.index_cast %parallel_loop3A_121 : i32 to index
          %parallel_loop3A_130 = tpu.vector_load %arg12[%parallel_loop3A_128, %parallel_loop3A_129] {strides = array<i32>} : memref<8x2048xf32, #tpu.memory_space<vmem>>, vector<1x16xf32>,
          %parallel_loop3A_131 = vector.shape_cast %parallel_loop3A_130 : vector<1x16xf32> to vector<16xf32>
          %parallel_loop3A_132 = vector.shape_cast %parallel_loop3A_126 : vector<16xf32> to vector<1x16xf32>
          tpu.vector_store %arg12[%parallel_loop3A_128, %parallel_loop3A_129], %parallel_loop3A_132 {add = true, strides = array<i32>} : memref<8x2048xf32, #tpu.memory_space<vmem>>, vector<1x16xf32>,
        } {sc.loop_unroll_factor = 8 : i64, sc.parallel_access}
        %parallel_loop3A_100 = arith.constant 0 : i32
        %parallel_loop3A_101 = arith.constant 128 : i32
        %parallel_loop3A_102 = arith.constant 1 : i32
        scf.for %parallel_loop3A_119 = %parallel_loop3A_100 to %parallel_loop3A_101 step %parallel_loop3A_102  : i32 {
          %parallel_loop3A_120 = arith.constant 16 : i32
          %parallel_loop3A_121 = arith.muli %parallel_loop3A_119, %parallel_loop3A_120 : i32
          %parallel_loop3A_122 = arith.constant 4 : i32
          %parallel_loop3A_123 = arith.index_cast %parallel_loop3A_122 : i32 to index
          %parallel_loop3A_124 = arith.index_cast %parallel_loop3A_121 : i32 to index
          %parallel_loop3A_125 = tpu.vector_load %arg9[%parallel_loop3A_123, %parallel_loop3A_124] {strides = array<i32>} : memref<8x2048xf32, #tpu.memory_space<vmem>>, vector<1x16xf32>,
          %parallel_loop3A_126 = vector.shape_cast %parallel_loop3A_125 : vector<1x16xf32> to vector<16xf32>
          %parallel_loop3A_127 = arith.constant 4 : i32
          %parallel_loop3A_128 = arith.index_cast %parallel_loop3A_127 : i32 to index
          %parallel_loop3A_129 = arith.index_cast %parallel_loop3A_121 : i32 to index
          %parallel_loop3A_130 = tpu.vector_load %arg12[%parallel_loop3A_128, %parallel_loop3A_129] {strides = array<i32>} : memref<8x2048xf32, #tpu.memory_space<vmem>>, vector<1x16xf32>,
          %parallel_loop3A_131 = vector.shape_cast %parallel_loop3A_130 : vector<1x16xf32> to vector<16xf32>
          %parallel_loop3A_132 = vector.shape_cast %parallel_loop3A_126 : vector<16xf32> to vector<1x16xf32>
          tpu.vector_store %arg12[%parallel_loop3A_128, %parallel_loop3A_129], %parallel_loop3A_132 {add = true, strides = array<i32>} : memref<8x2048xf32, #tpu.memory_space<vmem>>, vector<1x16xf32>,
        } {sc.loop_unroll_factor = 8 : i64, sc.parallel_access}
        %parallel_loop3A_103 = arith.constant 0 : i32
        %parallel_loop3A_104 = arith.constant 128 : i32
        %parallel_loop3A_105 = arith.constant 1 : i32
        scf.for %parallel_loop3A_119 = %parallel_loop3A_103 to %parallel_loop3A_104 step %parallel_loop3A_105  : i32 {
          %parallel_loop3A_120 = arith.constant 16 : i32
          %parallel_loop3A_121 = arith.muli %parallel_loop3A_119, %parallel_loop3A_120 : i32
          %parallel_loop3A_122 = arith.constant 5 : i32
          %parallel_loop3A_123 = arith.index_cast %parallel_loop3A_122 : i32 to index
          %parallel_loop3A_124 = arith.index_cast %parallel_loop3A_121 : i32 to index
          %parallel_loop3A_125 = tpu.vector_load %arg9[%parallel_loop3A_123, %parallel_loop3A_124] {strides = array<i32>} : memref<8x2048xf32, #tpu.memory_space<vmem>>, vector<1x16xf32>,
          %parallel_loop3A_126 = vector.shape_cast %parallel_loop3A_125 : vector<1x16xf32> to vector<16xf32>
          %parallel_loop3A_127 = arith.constant 5 : i32
          %parallel_loop3A_128 = arith.index_cast %parallel_loop3A_127 : i32 to index
          %parallel_loop3A_129 = arith.index_cast %parallel_loop3A_121 : i32 to index
          %parallel_loop3A_130 = tpu.vector_load %arg12[%parallel_loop3A_128, %parallel_loop3A_129] {strides = array<i32>} : memref<8x2048xf32, #tpu.memory_space<vmem>>, vector<1x16xf32>,
          %parallel_loop3A_131 = vector.shape_cast %parallel_loop3A_130 : vector<1x16xf32> to vector<16xf32>
          %parallel_loop3A_132 = vector.shape_cast %parallel_loop3A_126 : vector<16xf32> to vector<1x16xf32>
          tpu.vector_store %arg12[%parallel_loop3A_128, %parallel_loop3A_129], %parallel_loop3A_132 {add = true, strides = array<i32>} : memref<8x2048xf32, #tpu.memory_space<vmem>>, vector<1x16xf32>,
        } {sc.loop_unroll_factor = 8 : i64, sc.parallel_access}
        %parallel_loop3A_106 = arith.constant 0 : i32
        %parallel_loop3A_107 = arith.constant 128 : i32
        %parallel_loop3A_108 = arith.constant 1 : i32
        scf.for %parallel_loop3A_119 = %parallel_loop3A_106 to %parallel_loop3A_107 step %parallel_loop3A_108  : i32 {
          %parallel_loop3A_120 = arith.constant 16 : i32
          %parallel_loop3A_121 = arith.muli %parallel_loop3A_119, %parallel_loop3A_120 : i32
          %parallel_loop3A_122 = arith.constant 6 : i32
          %parallel_loop3A_123 = arith.index_cast %parallel_loop3A_122 : i32 to index
          %parallel_loop3A_124 = arith.index_cast %parallel_loop3A_121 : i32 to index
          %parallel_loop3A_125 = tpu.vector_load %arg9[%parallel_loop3A_123, %parallel_loop3A_124] {strides = array<i32>} : memref<8x2048xf32, #tpu.memory_space<vmem>>, vector<1x16xf32>,
          %parallel_loop3A_126 = vector.shape_cast %parallel_loop3A_125 : vector<1x16xf32> to vector<16xf32>
          %parallel_loop3A_127 = arith.constant 6 : i32
          %parallel_loop3A_128 = arith.index_cast %parallel_loop3A_127 : i32 to index
          %parallel_loop3A_129 = arith.index_cast %parallel_loop3A_121 : i32 to index
          %parallel_loop3A_130 = tpu.vector_load %arg12[%parallel_loop3A_128, %parallel_loop3A_129] {strides = array<i32>} : memref<8x2048xf32, #tpu.memory_space<vmem>>, vector<1x16xf32>,
          %parallel_loop3A_131 = vector.shape_cast %parallel_loop3A_130 : vector<1x16xf32> to vector<16xf32>
          %parallel_loop3A_132 = vector.shape_cast %parallel_loop3A_126 : vector<16xf32> to vector<1x16xf32>
          tpu.vector_store %arg12[%parallel_loop3A_128, %parallel_loop3A_129], %parallel_loop3A_132 {add = true, strides = array<i32>} : memref<8x2048xf32, #tpu.memory_space<vmem>>, vector<1x16xf32>,
        } {sc.loop_unroll_factor = 8 : i64, sc.parallel_access}
        %parallel_loop3A_109 = arith.constant 0 : i32
        %parallel_loop3A_110 = arith.constant 128 : i32
        %parallel_loop3A_111 = arith.constant 1 : i32
        scf.for %parallel_loop3A_119 = %parallel_loop3A_109 to %parallel_loop3A_110 step %parallel_loop3A_111  : i32 {
          %parallel_loop3A_120 = arith.constant 16 : i32
          %parallel_loop3A_121 = arith.muli %parallel_loop3A_119, %parallel_loop3A_120 : i32
          %parallel_loop3A_122 = arith.constant 7 : i32
          %parallel_loop3A_123 = arith.index_cast %parallel_loop3A_122 : i32 to index
          %parallel_loop3A_124 = arith.index_cast %parallel_loop3A_121 : i32 to index
          %parallel_loop3A_125 = tpu.vector_load %arg9[%parallel_loop3A_123, %parallel_loop3A_124] {strides = array<i32>} : memref<8x2048xf32, #tpu.memory_space<vmem>>, vector<1x16xf32>,
          %parallel_loop3A_126 = vector.shape_cast %parallel_loop3A_125 : vector<1x16xf32> to vector<16xf32>
          %parallel_loop3A_127 = arith.constant 7 : i32
          %parallel_loop3A_128 = arith.index_cast %parallel_loop3A_127 : i32 to index
          %parallel_loop3A_129 = arith.index_cast %parallel_loop3A_121 : i32 to index
          %parallel_loop3A_130 = tpu.vector_load %arg12[%parallel_loop3A_128, %parallel_loop3A_129] {strides = array<i32>} : memref<8x2048xf32, #tpu.memory_space<vmem>>, vector<1x16xf32>,
          %parallel_loop3A_131 = vector.shape_cast %parallel_loop3A_130 : vector<1x16xf32> to vector<16xf32>
          %parallel_loop3A_132 = vector.shape_cast %parallel_loop3A_126 : vector<16xf32> to vector<1x16xf32>
          tpu.vector_store %arg12[%parallel_loop3A_128, %parallel_loop3A_129], %parallel_loop3A_132 {add = true, strides = array<i32>} : memref<8x2048xf32, #tpu.memory_space<vmem>>, vector<1x16xf32>,
        } {sc.loop_unroll_factor = 8 : i64, sc.parallel_access}
        %mul3A_112 = arith.constant 8 : i32
        %mul3A_113 = arith.muli %add3A_56, %mul3A_112 : i32
        %add3A_114 = arith.addi %mul3A_2, %mul3A_113 : i32
        %dma_start3A_115 = arith.constant 0 : i32
        %dma_start3A_116 = tpu.memref_slice %arg5[%add3A_114, %dma_start3A_115] : memref<8192x2048xf32, #tpu.memory_space<hbm>> -> memref<8x2048xf32, #tpu.memory_space<hbm>>
        %dma_start3A_117 = arith.constant 0 : i32
        %dma_start3A_118 = tpu.memref_slice %arg5[%add3A_114, %dma_start3A_117] : memref<8192x2048xf32, #tpu.memory_space<hbm>> -> memref<8x2048xf32, #tpu.memory_space<hbm>>
        tpu.enqueue_dma source(%arg12 : memref<8x2048xf32, #tpu.memory_space<vmem>>) target(%dma_start3A_118 : memref<8x2048xf32, #tpu.memory_space<hbm>>) target_semaphore(%arg21 : memref<!tpu.dma_semaphore, #tpu.memory_space<semaphore_mem>>)
      } else {
      }
    }
    %scan3A_21 = arith.constant 11 : i32
    %add3A_22 = arith.constant 232 : i32
    %add3A_23 = arith.addi %mul3A_2, %add3A_22 : i32
    %dma_wait3A = arith.constant 0 : i32
    %dma_wait3A_24 = tpu.memref_slice %arg5[%add3A_23, %dma_wait3A] : memref<8192x2048xf32, #tpu.memory_space<hbm>> -> memref<8x2048xf32, #tpu.memory_space<hbm>>
    %dma_wait3A_25 = arith.constant 0 : i32
    %dma_wait3A_26 = tpu.memref_slice %arg5[%add3A_23, %dma_wait3A_25] : memref<8192x2048xf32, #tpu.memory_space<hbm>> -> memref<8x2048xf32, #tpu.memory_space<hbm>>
    tpu.wait_dma2 semaphore(%arg21 : memref<!tpu.dma_semaphore, #tpu.memory_space<semaphore_mem>>) src(%arg12 : memref<8x2048xf32, #tpu.memory_space<vmem>>) dst(%dma_wait3A_26 : memref<8x2048xf32, #tpu.memory_space<hbm>>)
    %add3A_27 = arith.constant 240 : i32
    %add3A_28 = arith.addi %mul3A_2, %add3A_27 : i32
    %dma_wait3A_29 = arith.constant 0 : i32
    %dma_wait3A_30 = tpu.memref_slice %arg5[%add3A_28, %dma_wait3A_29] : memref<8192x2048xf32, #tpu.memory_space<hbm>> -> memref<8x2048xf32, #tpu.memory_space<hbm>>
    %dma_wait3A_31 = arith.constant 0 : i32
    %dma_wait3A_32 = tpu.memref_slice %arg5[%add3A_28, %dma_wait3A_31] : memref<8192x2048xf32, #tpu.memory_space<hbm>> -> memref<8x2048xf32, #tpu.memory_space<hbm>>
    tpu.wait_dma2 semaphore(%arg19 : memref<!tpu.dma_semaphore, #tpu.memory_space<semaphore_mem>>) src(%arg10 : memref<8x2048xf32, #tpu.memory_space<vmem>>) dst(%dma_wait3A_32 : memref<8x2048xf32, #tpu.memory_space<hbm>>)
    %add3A_33 = arith.constant 248 : i32
    %add3A_34 = arith.addi %mul3A_2, %add3A_33 : i32
    %dma_wait3A_35 = arith.constant 0 : i32
    %dma_wait3A_36 = tpu.memref_slice %arg5[%add3A_34, %dma_wait3A_35] : memref<8192x2048xf32, #tpu.memory_space<hbm>> -> memref<8x2048xf32, #tpu.memory_space<hbm>>
    %dma_wait3A_37 = arith.constant 0 : i32
    %dma_wait3A_38 = tpu.memref_slice %arg5[%add3A_34, %dma_wait3A_37] : memref<8192x2048xf32, #tpu.memory_space<hbm>> -> memref<8x2048xf32, #tpu.memory_space<hbm>>
    tpu.wait_dma2 semaphore(%arg20 : memref<!tpu.dma_semaphore, #tpu.memory_space<semaphore_mem>>) src(%arg11 : memref<8x2048xf32, #tpu.memory_space<vmem>>) dst(%dma_wait3A_38 : memref<8x2048xf32, #tpu.memory_space<hbm>>)
    return
  }
}

</mosaic_0001>

<sc_bundles>
// kernel: _pe_add.3.cloned.1.call-start
scs
__scs_entry_jumppad:
0x0: {  	(pc) =	sbr.rel $0x88, $3  }
0x1: {  	(tag) =	ssettag $0x0;
	lr =	simm.s32 $0x1  }
0x2: {  	[smem:$0x3F9E] =	sst lr;
	_ =	strace $0xD0000000  }
0x3: {  	_ = 	snop  }
0x4: {  	_ = 	snop  }
0x5: {  	_ = 	snop  }
0x6: {  	_ = 	snop  }
0x7: {  	_ = 	snop  }
__scs_overlays_trampoline_lowered:
0x8: {  	[smem:$0x3FAD] =	sst s0  }
0x9: {  	[smem:$0x3FAE] =	sst s1  }
0xa: {  	[smem:$0x3FAF] =	sst s2  }
0xb: {  	[smem:$0x3FB0] =	sst s3  }
0xc: {  	[smem:$0x3FB1] =	sst s4  }
0xd: {  	[smem:$0x3FB2] =	sst s5  }
0xe: {  	[smem:$0x3FB3] =	sst s6  }
0xf: {  	[smem:$0x3FB4] =	sst s7  }
0x10: {  	[smem:$0x3FB5] =	sst s8  }
0x11: {  	[smem:$0x3FB6] =	sst s9;
	s0 =	simm.s32 @!p0 $0x0  }
0x12: {  	s1 =	sld [smem:$0x3F9C];
	s0 =	simm.s32 @p0 $0x1  }
0x13: {  	[smem:$0x3FB7] =	sst s0;
	s0 =	simm.s32 @!p1 $0x0  }
0x14: {  	s2 =	sld [smem:$0x3F9B];
	s0 =	simm.s32 @p1 $0x1  }
0x15: {  	[smem:$0x3FB8] =	sst s0;
	s0 =	simm.s32 @!p2 $0x0  }
0x16: {  	s3 =	sld [smem:$0x3FDB];
	s0 =	simm.s32 @p2 $0x1  }
0x17: {  	s4 =	simm.s32 $0x1BF5;
	[smem:$0x3FBA] =	sst s0  }
0x18: {  	s0 =	sld [smem:$0x3F9D];
	_ =	swait.ge [sflag:s4], $0x0  }
0x19: {  	s7 =	sld [smem:$0x3F9E]  }
0x1a: {  	s8 =	sadd.s32 $0xFFFFE003, lr  }
0x1b: {  	s9 =	sadd.s32 $0xFFFFFEF7, lr;
	s5 =	simm.s32 $0xFFFFFFFF;
	p2 =	slt.u32 s8, $0xFFFFF086  }
0x1c: {  	p1 =	slt.u32 s9, $0xF7A;
	s5 =	simm.s32 @!p2 $0x0  }
0x1d: {  	s5 =	simm.s32 @p1 $0x1;
	p0 =	seq.s32 s7, s2  }
0x1e: {  	s7 =	smul.u32 @!p0 $0xF7A, s2;
	p2 =	seq.s32 @!p0 s5, $0x0  }
0x1f: {  	s9 =	smul.u32 $0xF7A, s1;
	s8 =	simm.s32 @!p0 $0x1BF5;
	p2 =	por !p2, p0  }
0x20: {  	[sflag:s8] =	ssyncset.s32 @!p0 $0xFFFFF086;
	s6 =	sadd.s32 @!p0 s3, s7;
	s7 =	simm.s32 @!p0 $0x108  }
0x21: {  	s3 =	sadd.s32 s3, s9;
	s6 =	sadd.s32 @!p0 $0x88, s6;
	s7 =	simm.s32 @p2 $0x1082  }
0x22: {  	[simem:s7], [sflag:s8] =	dma.local @!p0 [hbm:s6], $0xF7A  }
0x23: {  	s9 =	sor.u32 $0xD0000000, s2;
	s6 =	simm.s32 $0x108;
	_ =	swait.ge @!p0 [sflag:s8], $0x0  }
0x24: {  	s3 =	sadd.s32 $0x88, s3;
	s6 =	simm.s32 @!p1 $0x1082;
	[sflag:s4] =	ssyncset.s32 $0xFFFFF086  }
0x25: {  	[simem:s6], [sflag:s4] =	dma.local [hbm:s3], $0xF7A  }
0x26: {  	[smem:$0x3F9E] =	sst s1;
	(tag) =	ssettag s2;
	_ =	strace s9  }
0x27: {  	s1 =	sld [smem:$0x3FAE]  }
0x28: {  	s2 =	sld [smem:$0x3FAF]  }
0x29: {  	s4 =	sld [smem:$0x3FB1]  }
0x2a: {  	p0 =	seq.s32 s5, $0x0;
	s5 =	sld [smem:$0x3FB2]  }
0x2b: {  	s6 =	sld [smem:$0x3FB3]  }
0x2c: {  	s7 =	sld [smem:$0x3FB4]  }
0x2d: {  	s3 =	simm.s32 $0x108;
	s8 =	sld [smem:$0x3FB5]  }
0x2e: {  	s3 =	simm.s32 @!p0 $0x1082;
	s9 =	sld [smem:$0x3FB6]  }
0x2f: {  	lr =	sadd.s32 s0, s3;
	s0 =	sld [smem:$0x3FAD]  }
0x30: {  	s3 =	sld [smem:$0x3FB0]  }
0x31: {  	[smem:$0x3FB9] =	sst s10  }
0x32: {  	s10 =	sld [smem:$0x3FB7];
	_ =	sdelay $0x3  }
0x33: {  	p0 =	seq.s32 s10, $0x1;
	s10 =	sld [smem:$0x3FB9];
	_ =	sdelay $0x3  }
0x34: {  	[smem:$0x3FB9] =	sst s10  }
0x35: {  	s10 =	sld [smem:$0x3FB8];
	_ =	sdelay $0x3  }
0x36: {  	p1 =	seq.s32 s10, $0x1;
	s10 =	sld [smem:$0x3FB9];
	_ =	sdelay $0x3  }
0x37: {  	[smem:$0x3FB9] =	sst s10  }
0x38: {  	s10 =	sld [smem:$0x3FBA]  }
0x39: {  	_ = 	snop;
	(pc) =	sbr.ind lr, $3  }
0x3a: {  	_ = 	snop  }
0x3b: {  	_ = 	snop  }
0x3c: {  	p2 =	seq.s32 s10, $0x1;
	s10 =	sld [smem:$0x3FB9]  }
0x3d: {  	_ =	shalt  }
0x3e: {  	_ =	shalt  }
0x3f: {  	_ =	shalt  }
0x40: {  	_ =	shalt  }
0x41: {  	_ =	shalt  }
0x42: {  	_ =	shalt  }
0x43: {  	_ =	shalt  }
0x44: {  	_ =	shalt  }
0x45: {  	_ =	shalt  }
0x46: {  	_ =	shalt  }
0x47: {  	_ =	shalt  }
0x48: {  	_ =	shalt  }
0x49: {  	_ =	shalt  }
0x4a: {  	_ =	shalt  }
0x4b: {  	_ =	shalt  }
0x4c: {  	_ =	shalt  }
0x4d: {  	_ =	shalt  }
0x4e: {  	_ =	shalt  }
0x4f: {  	_ =	shalt  }
0x50: {  	_ =	shalt  }
0x51: {  	_ =	shalt  }
0x52: {  	_ =	shalt  }
0x53: {  	_ =	shalt  }
0x54: {  	_ =	shalt  }
0x55: {  	_ =	shalt  }
0x56: {  	_ =	shalt  }
0x57: {  	_ =	shalt  }
0x58: {  	_ =	shalt  }
0x59: {  	_ =	shalt  }
0x5a: {  	_ =	shalt  }
0x5b: {  	_ =	shalt  }
0x5c: {  	_ =	shalt  }
0x5d: {  	_ =	shalt  }
0x5e: {  	_ =	shalt  }
0x5f: {  	_ =	shalt  }
0x60: {  	_ =	shalt  }
0x61: {  	_ =	shalt  }
0x62: {  	_ =	shalt  }
0x63: {  	_ =	shalt  }
0x64: {  	_ =	shalt  }
0x65: {  	_ =	shalt  }
0x66: {  	_ =	shalt  }
0x67: {  	_ =	shalt  }
0x68: {  	_ =	shalt  }
0x69: {  	_ =	shalt  }
0x6a: {  	_ =	shalt  }
0x6b: {  	_ =	shalt  }
0x6c: {  	_ =	shalt  }
0x6d: {  	_ =	shalt  }
0x6e: {  	_ =	shalt  }
0x6f: {  	_ =	shalt  }
0x70: {  	_ =	shalt  }
0x71: {  	_ =	shalt  }
0x72: {  	_ =	shalt  }
0x73: {  	_ =	shalt  }
0x74: {  	_ =	shalt  }
0x75: {  	_ =	shalt  }
0x76: {  	_ =	shalt  }
0x77: {  	_ =	shalt  }
0x78: {  	_ =	shalt  }
0x79: {  	_ =	shalt  }
0x7a: {  	_ =	shalt  }
0x7b: {  	_ =	shalt  }
0x7c: {  	_ =	shalt  }
0x7d: {  	_ =	shalt  }
0x7e: {  	_ =	shalt  }
0x7f: {  	_ =	shalt  }
0x80: {  	_ =	shalt  }
0x81: {  	_ =	shalt  }
0x82: {  	_ =	shalt  }
0x83: {  	_ =	shalt  }
0x84: {  	_ =	shalt  }
0x85: {  	_ =	shalt  }
0x86: {  	_ =	shalt  }
0x87: {  	_ =	shalt  }
.Lfunc_end0:
.L_simem_size_0:
called_computation_lowered:
.L_overlay_start_0:
0x88: {  	s2 =	sld [smem:$0x3FD9]  }
0x89: {  	s3 =	sld [smem:$0x3FFE];
	_ =	sdelay $0x1  }
0x8a: {  	s1 =	srdreg.scid  }
0x8b: {  	s0 =	sand.u32 $0x1, s1  }
0x8c: {  	s18 =	sshll.u32 s0, $0xA;
	s2 =	sadd.s32 s3, s2  }
0x8d: {  	s2 =	sadd.s32 s2, s18  }
0x8e: {  	[smem:$0x3FC5] =	sst s2  }
0x8f: {  	_ = 	snop  }
0x90: {  	s2 =	sld [smem:$0x3FC9]  }
0x91: {  	s19 =	sld [smem:$0x3FC8]  }
0x92: {  	s4 =	sld [smem:$0x3FC7]  }
0x93: {  	s5 =	sld [smem:$0x3FD0];
	(tm) =	ssettm $0x1  }
0x94: {  	s6 =	sld [smem:$0x3FFB];
	_ =	sdelay $0x3  }
0x95: {  	_ =	strace s6  }
0x96: {  	s6 =	sld [smem:$0x3FFC];
	_ =	sdelay $0x3  }
0x97: {  	_ =	strace s6  }
0x98: {  	s6 =	sld [smem:$0x3FFD];
	_ =	sdelay $0x3  }
0x99: {  	_ =	strace s6  }
0x9a: {  	_ =	strace $0x8FFFFFFF  }
0x9b: {  	s20 =	sld [smem:$0x3FDB];
	_ =	sdelay $0x1  }
0x9c: {  	s7 =	simm.s32 $_scs_section_size  }
0x9d: {  	s8 =	simm.s32 $_size__tile_overlayer_lowered;
	s9 =	simm.s32 $_tile_overlayer_lowered  }
0x9e: {  	s23 =	simm.s32 $0x1BFF;
	s22 =	sshll.u32 s9, $0x1;
	s6 =	sadd.s32 s7, s20  }
0x9f: {  	s10 =	simm.s32 $0x0;
	s21 =	sshll.u32 s8, $0x1;
	s8 =	sadd.s32 s22, s6  }
0xa0: {  	[timem:s10], [sflag:s23] =	dma.local [hbm:s8], s21  }
0xa1: {  	_ =	swait.ge [sflag:s23], s21  }
0xa2: {  	s7 =	ssub.s32 $0x0, s21;
	[sflag:s23] =	ssyncset.done $0x0  }
0xa3: {  	[sflag:s23] =	ssyncadd.s32 s7;
	_ =	sdelay $0x1  }
0xa4: {  	s24 =	simm.s32 $0x1B8B  }
0xa5: {  	_ =	swait.ge [sflag:s24], $0x1  }
0xa6: {  	[sflag:s24] =	ssyncset.done $0x0  }
0xa7: {  	s25 =	simm.s32 $0x1B8E;
	[sflag:s24] =	ssyncadd.s32 $0xFFFFFFFF  }
0xa8: {  	s26 =	simm.s32 $execute0_lowered;
	[smem:$0x3FD2] =	sst s25  }
0xa9: {  	s7 =	sshll.u32 s26, $0x1;
	_ =	strace $0x80000046;
	[dreg:$0x1] =	wrdreg $0xFFFFFFFF  }
0xaa: {  	s28 =	simm.s32 $_size_execute0_lowered;
	s6 =	sadd.s32 s6, s7;
	[dreg:$0x0] =	wrdreg $0x0  }
0xab: {  	s7 =	sshll.u32 s28, $0x1;
	[dreg:$0x2] =	wrdreg s6  }
0xac: {  	[dreg:$0x3] =	wrdreg s7  }
0xad: {  	[dreg:$0x4] =	wrdreg $0xC0  }
0xae: {  	_ =	task [dreg:s10], $0x5FFFF  }
0xaf: {  	[dreg:$0x1] =	wrdreg $0xFFFFFFFF  }
0xb0: {  	[dreg:$0x0] =	wrdreg $0x60  }
0xb1: {  	[dreg:$0x2] =	wrdreg s2  }
0xb2: {  	[dreg:$0x3] =	wrdreg s19  }
0xb3: {  	[dreg:$0x4] =	wrdreg s4  }
0xb4: {  	[dreg:$0x5] =	wrdreg s5  }
0xb5: {  	[dreg:$0x6] =	wrdreg $0x9  }
0xb6: {  	_ =	task.clear_ibuf [dreg:s10], $0x7FFFF;
	_ =	strace $0x90000046  }
0xb7: {  	s29 =	simm.s32 $0x9;
	_ =	strace $0x80000048  }
0xb8: {  	_ =	swait.ge [sflag:s29], $0x1  }
0xb9: {  	[sflag:s29] =	ssyncadd.s32 $0xFFFFFFFF  }
0xba: {  	_ =	strace $0x90000048  }
0xbb: {  	_ =	sfence  }
0xbc: {  	s30 =	sld [smem:$0x0];
	_ =	sdelay $0x2  }
0xbd: {  	s31 =	sshll.u32 s1, $0xD;
	s1 =	sshrl.u32 s1, $0x2  }
0xbe: {  	s3 =	sand.u32 $0x4000, s31;
	s1 =	sadd.s32 s1, s30  }
0xbf: {  	s0 =	sor.u32 s3, s0;
	s1 =	sshll.u32 s1, $0x11  }
0xc0: {  	s0 =	sor.u32 s1, s0  }
0xc1: {  	s0 =	sadd.s32 $0x8F2B, s0  }
0xc2: {  	[sflag:s0] =	ssyncadd.remote.s32 $0x1  }
0xc3: {  	_ =	sfence.sel $0xFFFF  }
0xc4: {  	[dreg:$0x0] =	wrdreg $0xFFFFFFFF;
	(pc) =	sbr.abs _section_cstart, $3  }
0xc5: {  	[dreg:$0x1] =	wrdreg $0xFFFFFFFF  }
0xc6: {  	_ =	task.clear_ibuf [dreg:s10], $0x2FFFF;
	_ =	strace $0x9FFFFFFF  }
0xc7: {  	(tm) =	ssettm $0x7FFFFFFF  }
tec
execute0_lowered:
.L_overlay_start_1:
0x0: {  	(tag) =	ssettag $0x1  }
0x1: {  	s1 =	rddreg [dreg:$0x0]  }
0x2: {  	s0 =	rddreg [dreg:$0x1]  }
0x3: {  	s2 =	rddreg [dreg:$0x2]  }
0x4: {  	s4 =	rddreg [dreg:$0x3];
	s3 =	srdreg.scid  }
0x5: {  	s5 =	simm.s32 $0x0;
	s6 =	stileid.u32;
	s19 =	simm.s32 $0xC100  }
0x6: {  	s25 =	simm.s32 $0x10100;
	s28 =	simm.s32 $0x4;
	s29 =	simm.s32 $0x2  }
0x7: {  	s18 =	simm.s32 $0x7;
	s20 =	simm.s32 $0x8;
	s30 =	simm.s32 $0x6  }
0x8: {  	s3 =	sand.u32 $0x1, s3;
	[smem:$0x7FF] =	sst s5;
	s6 =	sshll.u32 s6, $0x9  }
0x9: {  	s10 =	sadd.s32 $0x100, s2;
	s11 =	sadd.s32 $0x200, s2;
	s12 =	sadd.s32 $0x300, s2  }
0xa: {  	s13 =	sadd.s32 $0x400, s2;
	s14 =	sadd.s32 $0x500, s2;
	s15 =	sadd.s32 $0x600, s2  }
0xb: {  	s16 =	sadd.s32 $0x700, s2;
	s7 =	sshll.u32 s3, $0x8;
	s3 =	ssub.s32 $0x2, s3  }
0xc: {  	_ =	strace $0x80000047;
	s6 =	sor.u32 s7, s6;
	s8 =	sshrl.u32 s3, $0x1  }
.Ltmp0:
0xd: {  	s9 =	sshll.u32 s6, $0x8;
	s7 =	sshrl.u32 s6, $0x3;
	(pc) =	sbr.rel .LBB2_1-.Ltmp0, $4  }
0xe: {  	s3 =	ssub.s32 s3, s8;
	s8 =	simm.s32 $0x5;
	s26 =	sadd.s32 s1, s9  }
0xf: {  	v0 =	vlaneseq.u32;
	s0 =	sadd.s32 s0, s7;
	s17 =	sor.u32 $0x3, s7;
	[dreg:$0x5] =	wrdreg s26  }
0x10: {  	v1 =	vshrl.u32 v0, $0x3;
	s31 =	smax.u32 s3, $0x1;
	s9 =	simm.s32 $0x3;
	[dreg:$0x6] =	wrdreg s0  }
0x11: {  	vm0 =	vmmov $0xffff;
	v0 =	vand.u32 $0x7, v0;
	v1 =	vmul.u32 $0x8, v1;
	s3 =	simm.s32 $0x0;
	[dreg:$0x7] =	wrdreg s31;
	s26 =	simm.s32 $0x1  }
.LBB2_54:
0x12: {  	s0 =	simm.s32 $0x9  }
0x13: {  	_ =	swait.ge [sflag:s0], $0x4000  }
0x14: {  	[sflag:s0] =	ssyncset.done $0x0  }
0x15: {  	[sflag:s0] =	ssyncadd.s32 $0xFFFFC000  }
0x16: {  	_ =	swait.ge [sflag:s18], $0x4000  }
0x17: {  	[sflag:s18] =	ssyncset.done $0x0  }
0x18: {  	[sflag:s18] =	ssyncadd.s32 $0xFFFFC000  }
0x19: {  	_ =	swait.ge [sflag:s20], $0x4000  }
0x1a: {  	s3 =	rddreg [dreg:$0x8]  }
0x1b: {  	s31 =	rddreg [dreg:$0x7];
	s3 =	sadd.s32 $0x1, s3  }
0x1c: {  	p0 =	sne.s32 s3, s31  }
.Ltmp1:
0x1d: {  	_ = 	snop;
	(pc) =	sbr.rel @!p0 .LBB2_55-.Ltmp1, $3  }
0x1e: {  	_ =	sdelay $0x1  }
0x1f: {  	[sflag:s20] =	ssyncset.done $0x0  }
0x20: {  	[sflag:s20] =	ssyncadd.s32 $0xFFFFC000  }
.LBB2_1:
0x21: {  	[dreg:$0x8] =	wrdreg s3  }
0x22: {  	s0 =	rddreg [dreg:$0x5]  }
0x23: {  	[tilespmem:s19], [sflag:$0x4] =	stream.linear.gather [hbm4b:s0+s5], $0x4000, $0x38;
	[tilespmem:$0x18100] =	vst v63  }
0x24: {  	s22 =	rddreg [dreg:$0x6];
	s23 =	simm.s32 $0xA  }
0x25: {  	[tilespmem:s5], [sflag:$0xA] =	stream.linear.gather [hbm4b:s22+s5], $0x100, $0x38;
	[tilespmem:$0x18100] =	vst v63  }
0x26: {  	_ =	swait.ge [sflag:s23], $0x100  }
0x27: {  	[sflag:s23] =	ssyncset.done $0x0  }
0x28: {  	[sflag:s23] =	ssyncadd.s32 $0xFFFFFF00  }
0x29: {  	v2 =	vld.msk [tilespmem:$0x0], $0xff;
	_ =	sdelay $0x4  }
0x2a: {  	v3 =	vshll.u32 v2, $0x4  }
0x2b: {  	v2 =	vand.u32 $0x7, v2;
	v3 =	vand.u32 $0xFFFFFF80, v3  }
0x2c: {  	v2 =	vor.u32 v2, v3  }
0x2d: {  	v2 =	vperm.xlane v2, v0;
	_ =	sdelay $0x1  }
0x2e: {  	v2 =	vadd.s32 v1, v2;
	_ =	sdelay $0x3  }
0x2f: {  	s24 =	simm.s32 $0x100  }
0x30: {  	[tilespmem:s24], [sflag:$0x1] =	stream.indirect_vreg.gather [hbm4b:s2+s5], $0x80, v2, vm0, $0xb8;
	[tilespmem:$0x18100] =	vst v63  }
0x31: {  	s3 =	simm.s32 $0x900  }
0x32: {  	[tilespmem:s3], [sflag:$0x1] =	stream.indirect_vreg.gather [hbm4b:s10+s5], $0x80, v2, vm0, $0xb8;
	[tilespmem:$0x18100] =	vst v63  }
0x33: {  	s21 =	simm.s32 $0x1100  }
0x34: {  	[tilespmem:s21], [sflag:$0x1] =	stream.indirect_vreg.gather [hbm4b:s11+s5], $0x80, v2, vm0, $0xb8;
	[tilespmem:$0x18100] =	vst v63  }
0x35: {  	s22 =	simm.s32 $0x1900  }
0x36: {  	[tilespmem:s22], [sflag:$0x1] =	stream.indirect_vreg.gather [hbm4b:s12+s5], $0x80, v2, vm0, $0xb8;
	[tilespmem:$0x18100] =	vst v63  }
0x37: {  	s23 =	simm.s32 $0x2100  }
0x38: {  	[tilespmem:s23], [sflag:$0x1] =	stream.indirect_vreg.gather [hbm4b:s13+s5], $0x80, v2, vm0, $0xb8;
	[tilespmem:$0x18100] =	vst v63  }
0x39: {  	s24 =	simm.s32 $0x2900  }
0x3a: {  	[tilespmem:s24], [sflag:$0x1] =	stream.indirect_vreg.gather [hbm4b:s14+s5], $0x80, v2, vm0, $0xb8;
	[tilespmem:$0x18100] =	vst v63  }
0x3b: {  	s3 =	simm.s32 $0x3100  }
0x3c: {  	[tilespmem:s3], [sflag:$0x1] =	stream.indirect_vreg.gather [hbm4b:s15+s5], $0x80, v2, vm0, $0xb8;
	[tilespmem:$0x18100] =	vst v63  }
0x3d: {  	s21 =	simm.s32 $0x3900  }
0x3e: {  	[tilespmem:s21], [sflag:$0x1] =	stream.indirect_vreg.gather [hbm4b:s16+s5], $0x80, v2, vm0, $0xb8;
	[tilespmem:$0x18100] =	vst v63  }
0x3f: {  	v2 =	vld.msk [tilespmem:$0x8], $0xff;
	_ =	sdelay $0x4  }
0x40: {  	v3 =	vshll.u32 v2, $0x4  }
0x41: {  	v2 =	vand.u32 $0x7, v2;
	v3 =	vand.u32 $0xFFFFFF80, v3  }
0x42: {  	v2 =	vor.u32 v2, v3  }
0x43: {  	v2 =	vperm.xlane v2, v0;
	_ =	sdelay $0x1  }
0x44: {  	v2 =	vadd.s32 v1, v2;
	_ =	sdelay $0x3  }
0x45: {  	s22 =	simm.s32 $0x4100  }
0x46: {  	[tilespmem:s22], [sflag:$0x2] =	stream.indirect_vreg.gather [hbm4b:s2+s5], $0x80, v2, vm0, $0xb8;
	[tilespmem:$0x18100] =	vst v63  }
0x47: {  	s23 =	simm.s32 $0x4900  }
0x48: {  	[tilespmem:s23], [sflag:$0x2] =	stream.indirect_vreg.gather [hbm4b:s10+s5], $0x80, v2, vm0, $0xb8;
	[tilespmem:$0x18100] =	vst v63  }
0x49: {  	s24 =	simm.s32 $0x5100  }
0x4a: {  	[tilespmem:s24], [sflag:$0x2] =	stream.indirect_vreg.gather [hbm4b:s11+s5], $0x80, v2, vm0, $0xb8;
	[tilespmem:$0x18100] =	vst v63  }
0x4b: {  	s3 =	simm.s32 $0x5900  }
0x4c: {  	[tilespmem:s3], [sflag:$0x2] =	stream.indirect_vreg.gather [hbm4b:s12+s5], $0x80, v2, vm0, $0xb8;
	[tilespmem:$0x18100] =	vst v63  }
0x4d: {  	s21 =	simm.s32 $0x6100  }
0x4e: {  	[tilespmem:s21], [sflag:$0x2] =	stream.indirect_vreg.gather [hbm4b:s13+s5], $0x80, v2, vm0, $0xb8;
	[tilespmem:$0x18100] =	vst v63  }
0x4f: {  	s22 =	simm.s32 $0x6900  }
0x50: {  	[tilespmem:s22], [sflag:$0x2] =	stream.indirect_vreg.gather [hbm4b:s14+s5], $0x80, v2, vm0, $0xb8;
	[tilespmem:$0x18100] =	vst v63  }
0x51: {  	s23 =	simm.s32 $0x7100  }
0x52: {  	[tilespmem:s23], [sflag:$0x2] =	stream.indirect_vreg.gather [hbm4b:s15+s5], $0x80, v2, vm0, $0xb8;
	[tilespmem:$0x18100] =	vst v63  }
0x53: {  	s31 =	simm.s32 $0x0;
	s24 =	simm.s32 $0x7900  }
0x54: {  	[tilespmem:s24], [sflag:$0x2] =	stream.indirect_vreg.gather [hbm4b:s16+s5], $0x80, v2, vm0, $0xb8;
	[tilespmem:$0x18100] =	vst v63  }
.LBB2_2:
0x55: {  	p0 =	seq.s32 s31, $0xA  }
0x56: {  	s0 =	smul.u32 @!p0 $0x60, s31;
	_ =	sdelay $0x1  }
0x57: {  	s21 =	sshra.s32 @!p0 s0, $0x2  }
0x58: {  	v2 =	vld.msk @!p0 [tilespmem:s21+$0x10], $0xff;
	_ =	sdelay $0x4  }
0x59: {  	v3 =	vshll.u32 @!p0 v2, $0x4  }
0x5a: {  	v4 =	vlaneseq.u32 @!p0;
	v2 =	vand.u32 @!p0 $0x7, v2;
	v3 =	vand.u32 @!p0 $0xFFFFFF80, v3  }
0x5b: {  	v2 =	vor.u32 @!p0 v2, v3;
	v3 =	vand.u32 @!p0 $0x7, v4;
	v4 =	vshrl.u32 @!p0 v4, $0x3  }
0x5c: {  	v2 =	vperm.xlane @!p0 v2, v3;
	v3 =	vmul.u32 @!p0 $0x8, v4;
	_ =	sdelay $0x1  }
0x5d: {  	v2 =	vadd.s32 @!p0 v3, v2;
	_ =	sdelay $0x3  }
0x5e: {  	vm1 =	vmmov @!p0 $0xffff;
	s3 =	simm.s32 @!p0 $0x8100;
	s0 =	simm.s32 @!p0 $0x0  }
0x5f: {  	[tilespmem:s3], [sflag:$0x3] =	stream.indirect_vreg.gather @!p0 [hbm4b:s2+s0], $0x80, v2, vm1, $0xb8;
	[tilespmem:$0x18100] =	vst v63  }
0x60: {  	s3 =	simm.s32 @!p0 $0x8900  }
0x61: {  	[tilespmem:s3], [sflag:$0x3] =	stream.indirect_vreg.gather @!p0 [hbm4b:s10+s0], $0x80, v2, vm1, $0xb8;
	[tilespmem:$0x18100] =	vst v63  }
0x62: {  	s3 =	simm.s32 @!p0 $0x9100  }
0x63: {  	[tilespmem:s3], [sflag:$0x3] =	stream.indirect_vreg.gather @!p0 [hbm4b:s11+s0], $0x80, v2, vm1, $0xb8;
	[tilespmem:$0x18100] =	vst v63  }
0x64: {  	s3 =	simm.s32 @!p0 $0x9900  }
0x65: {  	[tilespmem:s3], [sflag:$0x3] =	stream.indirect_vreg.gather @!p0 [hbm4b:s12+s0], $0x80, v2, vm1, $0xb8;
	[tilespmem:$0x18100] =	vst v63  }
0x66: {  	s3 =	simm.s32 @!p0 $0xA100  }
0x67: {  	[tilespmem:s3], [sflag:$0x3] =	stream.indirect_vreg.gather @!p0 [hbm4b:s13+s0], $0x80, v2, vm1, $0xb8;
	[tilespmem:$0x18100] =	vst v63  }
0x68: {  	p1 =	seq.s32 @!p0 s31, $0x0;
	s3 =	simm.s32 @!p0 $0xA900  }
0x69: {  	[tilespmem:s3], [sflag:$0x3] =	stream.indirect_vreg.gather @!p0 [hbm4b:s14+s0], $0x80, v2, vm1, $0xb8;
	[tilespmem:$0x18100] =	vst v63  }
0x6a: {  	p2 =	por p0, !p1;
	s3 =	simm.s32 @!p0 $0xB100  }
0x6b: {  	[tilespmem:s3], [sflag:$0x3] =	stream.indirect_vreg.gather @!p0 [hbm4b:s15+s0], $0x80, v2, vm1, $0xb8;
	[tilespmem:$0x18100] =	vst v63  }
.Ltmp2:
0x6c: {  	s3 =	simm.s32 @!p0 $0xB900;
	(pc) =	sbr.rel @!p2 .LBB2_4-.Ltmp2, $3  }
0x6d: {  	[tilespmem:s3], [sflag:$0x3] =	stream.indirect_vreg.gather @!p0 [hbm4b:s16+s0], $0x80, v2, vm1, $0xb8;
	[tilespmem:$0x18100] =	vst v63  }
0x6e: {  	s0 =	smul.u32 $0x3, s31;
	_ =	sdelay $0x1  }
0x6f: {  	s3 =	sadd.s32 @!p0 $0x1, s0  }
0x70: {  	_ =	swait.ge [sflag:s20], $0x4000  }
0x71: {  	[sflag:s20] =	ssyncset.done $0x0  }
0x72: {  	s3 =	simm.s32 @p0 $0x1F;
	[sflag:s20] =	ssyncadd.s32 $0xFFFFC000  }
.LBB2_4:
0x73: {  	s3 =	sadd.s32 s7, s3  }
0x74: {  	s3 =	sshll.u32 s3, $0xB  }
0x75: {  	s3 =	sand.u32 $0x1FFFF800, s3  }
0x76: {  	s23 =	simm.s32 $0x0;
	s22 =	sadd.s32 s1, s3  }
0x77: {  	[tilespmem:s25], [sflag:$0x5] =	stream.linear.gather [hbm4b:s22+s23], $0x4000, $0x38;
	[tilespmem:$0x18100] =	vst v63  }
0x78: {  	_ =	swait.ge [sflag:s26], $0x4000  }
0x79: {  	[sflag:s26] =	ssyncset.done $0x0  }
0x7a: {  	[sflag:s26] =	ssyncadd.s32 $0xFFFFC000  }
0x7b: {  	_ =	swait.ge [sflag:s28], $0x4000  }
0x7c: {  	[sflag:s28] =	ssyncset.done $0x0  }
0x7d: {  	s22 =	simm.s32 $0x0;
	[sflag:s28] =	ssyncadd.s32 $0xFFFFC000  }
0x7e: {  	v2 =	vld [tilespmem:s22+$0x170]  }
0x7f: {  	v3 =	vld [tilespmem:s22+$0x100]  }
0x80: {  	v4 =	vld [tilespmem:s22+$0x110]  }
0x81: {  	v5 =	vld [tilespmem:s22+$0x120]  }
0x82: {  	v6 =	vld [tilespmem:s22+$0x130]  }
0x83: {  	v7 =	vld [tilespmem:s22+$0x140]  }
0x84: {  	v8 =	vld [tilespmem:s22+$0x150]  }
0x85: {  	[tilespmem:s22+$0xC170] =	vst.add.f32.msk $0xffff, v2  }
0x86: {  	v2 =	vld [tilespmem:s22+$0x160]  }
0x87: {  	[tilespmem:s22+$0xC100] =	vst.add.f32.msk $0xffff, v3  }
0x88: {  	[tilespmem:s22+$0xC110] =	vst.add.f32.msk $0xffff, v4  }
0x89: {  	[tilespmem:s22+$0xC120] =	vst.add.f32.msk $0xffff, v5  }
0x8a: {  	[tilespmem:s22+$0xC130] =	vst.add.f32.msk $0xffff, v6  }
0x8b: {  	[tilespmem:s22+$0xC140] =	vst.add.f32.msk $0xffff, v7  }
0x8c: {  	s24 =	simm.s32 $0x1000;
	s23 =	simm.s32 $0x0;
	[tilespmem:s22+$0xC150] =	vst.add.f32.msk $0xffff, v8  }
.LBB2_5:
0x8d: {  	s23 =	sadd.s32 $0x8, s23;
	[tilespmem:s22+$0xC160] =	vst.add.f32.msk $0xffff, v2;
	s22 =	sshra.s32 s24, $0x2  }
0x8e: {  	v2 =	vld [tilespmem:s22+$0x170];
	p2 =	slt.u32 s23, $0x78  }
0x8f: {  	v3 =	vld [tilespmem:s22+$0x100]  }
0x90: {  	v4 =	vld [tilespmem:s22+$0x110]  }
0x91: {  	v5 =	vld [tilespmem:s22+$0x120]  }
0x92: {  	v6 =	vld [tilespmem:s22+$0x130]  }
0x93: {  	[tilespmem:s22+$0xC170] =	vst.add.f32.msk $0xffff, v2  }
0x94: {  	v7 =	vld [tilespmem:s22+$0x140]  }
0x95: {  	v8 =	vld [tilespmem:s22+$0x150]  }
0x96: {  	v2 =	vld [tilespmem:s22+$0x160]  }
0x97: {  	[tilespmem:s22+$0xC100] =	vst.add.f32.msk $0xffff, v3  }
.Ltmp3:
0x98: {  	[tilespmem:s22+$0xC110] =	vst.add.f32.msk $0xffff, v4;
	(pc) =	sbr.rel @p2 .LBB2_5-.Ltmp3, $4  }
0x99: {  	[tilespmem:s22+$0xC120] =	vst.add.f32.msk $0xffff, v5  }
0x9a: {  	[tilespmem:s22+$0xC130] =	vst.add.f32.msk $0xffff, v6  }
0x9b: {  	[tilespmem:s22+$0xC140] =	vst.add.f32.msk $0xffff, v7  }
0x9c: {  	s24 =	sadd.s32 $0x1000, s24;
	[tilespmem:s22+$0xC150] =	vst.add.f32.msk $0xffff, v8  }
0x9d: {  	[tilespmem:s22+$0xC160] =	vst.add.f32.msk $0xffff, v2;
	s22 =	simm.s32 $0x0  }
0x9e: {  	v2 =	vld [tilespmem:s22+$0x1F0]  }
0x9f: {  	v3 =	vld [tilespmem:s22+$0x180]  }
0xa0: {  	v4 =	vld [tilespmem:s22+$0x190]  }
0xa1: {  	v5 =	vld [tilespmem:s22+$0x1A0]  }
0xa2: {  	v6 =	vld [tilespmem:s22+$0x1B0]  }
0xa3: {  	v7 =	vld [tilespmem:s22+$0x1C0]  }
0xa4: {  	v8 =	vld [tilespmem:s22+$0x1D0]  }
0xa5: {  	[tilespmem:s22+$0xC1F0] =	vst.add.f32.msk $0xffff, v2  }
0xa6: {  	v2 =	vld [tilespmem:s22+$0x1E0]  }
0xa7: {  	[tilespmem:s22+$0xC180] =	vst.add.f32.msk $0xffff, v3  }
0xa8: {  	[tilespmem:s22+$0xC190] =	vst.add.f32.msk $0xffff, v4  }
0xa9: {  	[tilespmem:s22+$0xC1A0] =	vst.add.f32.msk $0xffff, v5  }
0xaa: {  	[tilespmem:s22+$0xC1B0] =	vst.add.f32.msk $0xffff, v6  }
0xab: {  	[tilespmem:s22+$0xC1C0] =	vst.add.f32.msk $0xffff, v7  }
0xac: {  	s23 =	simm.s32 $0x0;
	s24 =	simm.s32 $0x1000;
	[tilespmem:s22+$0xC1D0] =	vst.add.f32.msk $0xffff, v8  }
.LBB2_7:
0xad: {  	s23 =	sadd.s32 $0x8, s23;
	[tilespmem:s22+$0xC1E0] =	vst.add.f32.msk $0xffff, v2;
	s22 =	sshra.s32 s24, $0x2  }
0xae: {  	v2 =	vld [tilespmem:s22+$0x1F0];
	p2 =	slt.u32 s23, $0x78  }
0xaf: {  	v3 =	vld [tilespmem:s22+$0x180]  }
0xb0: {  	v4 =	vld [tilespmem:s22+$0x190]  }
0xb1: {  	v5 =	vld [tilespmem:s22+$0x1A0]  }
0xb2: {  	v6 =	vld [tilespmem:s22+$0x1B0]  }
0xb3: {  	[tilespmem:s22+$0xC1F0] =	vst.add.f32.msk $0xffff, v2  }
0xb4: {  	v7 =	vld [tilespmem:s22+$0x1C0]  }
0xb5: {  	v8 =	vld [tilespmem:s22+$0x1D0]  }
0xb6: {  	v2 =	vld [tilespmem:s22+$0x1E0]  }
0xb7: {  	[tilespmem:s22+$0xC180] =	vst.add.f32.msk $0xffff, v3  }
.Ltmp4:
0xb8: {  	[tilespmem:s22+$0xC190] =	vst.add.f32.msk $0xffff, v4;
	(pc) =	sbr.rel @p2 .LBB2_7-.Ltmp4, $4  }
0xb9: {  	[tilespmem:s22+$0xC1A0] =	vst.add.f32.msk $0xffff, v5  }
0xba: {  	[tilespmem:s22+$0xC1B0] =	vst.add.f32.msk $0xffff, v6  }
0xbb: {  	[tilespmem:s22+$0xC1C0] =	vst.add.f32.msk $0xffff, v7  }
0xbc: {  	s24 =	sadd.s32 $0x1000, s24;
	[tilespmem:s22+$0xC1D0] =	vst.add.f32.msk $0xffff, v8  }
0xbd: {  	[tilespmem:s22+$0xC1E0] =	vst.add.f32.msk $0xffff, v2;
	s22 =	simm.s32 $0x0  }
0xbe: {  	v2 =	vld [tilespmem:s22+$0x270]  }
0xbf: {  	v3 =	vld [tilespmem:s22+$0x200]  }
0xc0: {  	v4 =	vld [tilespmem:s22+$0x210]  }
0xc1: {  	v5 =	vld [tilespmem:s22+$0x220]  }
0xc2: {  	v6 =	vld [tilespmem:s22+$0x230]  }
0xc3: {  	v7 =	vld [tilespmem:s22+$0x240]  }
0xc4: {  	v8 =	vld [tilespmem:s22+$0x250]  }
0xc5: {  	[tilespmem:s22+$0xC270] =	vst.add.f32.msk $0xffff, v2  }
0xc6: {  	v2 =	vld [tilespmem:s22+$0x260]  }
0xc7: {  	[tilespmem:s22+$0xC200] =	vst.add.f32.msk $0xffff, v3  }
0xc8: {  	[tilespmem:s22+$0xC210] =	vst.add.f32.msk $0xffff, v4  }
0xc9: {  	[tilespmem:s22+$0xC220] =	vst.add.f32.msk $0xffff, v5  }
0xca: {  	[tilespmem:s22+$0xC230] =	vst.add.f32.msk $0xffff, v6  }
0xcb: {  	[tilespmem:s22+$0xC240] =	vst.add.f32.msk $0xffff, v7  }
0xcc: {  	s23 =	simm.s32 $0x0;
	s24 =	simm.s32 $0x1000;
	[tilespmem:s22+$0xC250] =	vst.add.f32.msk $0xffff, v8  }
.LBB2_9:
0xcd: {  	s23 =	sadd.s32 $0x8, s23;
	[tilespmem:s22+$0xC260] =	vst.add.f32.msk $0xffff, v2;
	s22 =	sshra.s32 s24, $0x2  }
0xce: {  	v2 =	vld [tilespmem:s22+$0x270];
	p2 =	slt.u32 s23, $0x78  }
0xcf: {  	v3 =	vld [tilespmem:s22+$0x200]  }
0xd0: {  	v4 =	vld [tilespmem:s22+$0x210]  }
0xd1: {  	v5 =	vld [tilespmem:s22+$0x220]  }
0xd2: {  	v6 =	vld [tilespmem:s22+$0x230]  }
0xd3: {  	[tilespmem:s22+$0xC270] =	vst.add.f32.msk $0xffff, v2  }
0xd4: {  	v7 =	vld [tilespmem:s22+$0x240]  }
0xd5: {  	v8 =	vld [tilespmem:s22+$0x250]  }
0xd6: {  	v2 =	vld [tilespmem:s22+$0x260]  }
0xd7: {  	[tilespmem:s22+$0xC200] =	vst.add.f32.msk $0xffff, v3  }
.Ltmp5:
0xd8: {  	[tilespmem:s22+$0xC210] =	vst.add.f32.msk $0xffff, v4;
	(pc) =	sbr.rel @p2 .LBB2_9-.Ltmp5, $4  }
0xd9: {  	[tilespmem:s22+$0xC220] =	vst.add.f32.msk $0xffff, v5  }
0xda: {  	[tilespmem:s22+$0xC230] =	vst.add.f32.msk $0xffff, v6  }
0xdb: {  	[tilespmem:s22+$0xC240] =	vst.add.f32.msk $0xffff, v7  }
0xdc: {  	s24 =	sadd.s32 $0x1000, s24;
	[tilespmem:s22+$0xC250] =	vst.add.f32.msk $0xffff, v8  }
0xdd: {  	[tilespmem:s22+$0xC260] =	vst.add.f32.msk $0xffff, v2;
	s22 =	simm.s32 $0x0  }
0xde: {  	v2 =	vld [tilespmem:s22+$0x2F0]  }
0xdf: {  	v3 =	vld [tilespmem:s22+$0x280]  }
0xe0: {  	v4 =	vld [tilespmem:s22+$0x290]  }
0xe1: {  	v5 =	vld [tilespmem:s22+$0x2A0]  }
0xe2: {  	v6 =	vld [tilespmem:s22+$0x2B0]  }
0xe3: {  	v7 =	vld [tilespmem:s22+$0x2C0]  }
0xe4: {  	v8 =	vld [tilespmem:s22+$0x2D0]  }
0xe5: {  	[tilespmem:s22+$0xC2F0] =	vst.add.f32.msk $0xffff, v2  }
0xe6: {  	v2 =	vld [tilespmem:s22+$0x2E0]  }
0xe7: {  	[tilespmem:s22+$0xC280] =	vst.add.f32.msk $0xffff, v3  }
0xe8: {  	[tilespmem:s22+$0xC290] =	vst.add.f32.msk $0xffff, v4  }
0xe9: {  	[tilespmem:s22+$0xC2A0] =	vst.add.f32.msk $0xffff, v5  }
0xea: {  	[tilespmem:s22+$0xC2B0] =	vst.add.f32.msk $0xffff, v6  }
0xeb: {  	[tilespmem:s22+$0xC2C0] =	vst.add.f32.msk $0xffff, v7  }
0xec: {  	s23 =	simm.s32 $0x0;
	s24 =	simm.s32 $0x1000;
	[tilespmem:s22+$0xC2D0] =	vst.add.f32.msk $0xffff, v8  }
.LBB2_11:
0xed: {  	s23 =	sadd.s32 $0x8, s23;
	[tilespmem:s22+$0xC2E0] =	vst.add.f32.msk $0xffff, v2;
	s22 =	sshra.s32 s24, $0x2  }
0xee: {  	v2 =	vld [tilespmem:s22+$0x2F0];
	p2 =	slt.u32 s23, $0x78  }
0xef: {  	v3 =	vld [tilespmem:s22+$0x280]  }
0xf0: {  	v4 =	vld [tilespmem:s22+$0x290]  }
0xf1: {  	v5 =	vld [tilespmem:s22+$0x2A0]  }
0xf2: {  	v6 =	vld [tilespmem:s22+$0x2B0]  }
0xf3: {  	[tilespmem:s22+$0xC2F0] =	vst.add.f32.msk $0xffff, v2  }
0xf4: {  	v7 =	vld [tilespmem:s22+$0x2C0]  }
0xf5: {  	v8 =	vld [tilespmem:s22+$0x2D0]  }
0xf6: {  	v2 =	vld [tilespmem:s22+$0x2E0]  }
0xf7: {  	[tilespmem:s22+$0xC280] =	vst.add.f32.msk $0xffff, v3  }
.Ltmp6:
0xf8: {  	[tilespmem:s22+$0xC290] =	vst.add.f32.msk $0xffff, v4;
	(pc) =	sbr.rel @p2 .LBB2_11-.Ltmp6, $4  }
0xf9: {  	[tilespmem:s22+$0xC2A0] =	vst.add.f32.msk $0xffff, v5  }
0xfa: {  	[tilespmem:s22+$0xC2B0] =	vst.add.f32.msk $0xffff, v6  }
0xfb: {  	[tilespmem:s22+$0xC2C0] =	vst.add.f32.msk $0xffff, v7  }
0xfc: {  	s24 =	sadd.s32 $0x1000, s24;
	[tilespmem:s22+$0xC2D0] =	vst.add.f32.msk $0xffff, v8  }
0xfd: {  	[tilespmem:s22+$0xC2E0] =	vst.add.f32.msk $0xffff, v2;
	s22 =	simm.s32 $0x0  }
0xfe: {  	v2 =	vld [tilespmem:s22+$0x370]  }
0xff: {  	v3 =	vld [tilespmem:s22+$0x300]  }
0x100: {  	v4 =	vld [tilespmem:s22+$0x310]  }
0x101: {  	v5 =	vld [tilespmem:s22+$0x320]  }
0x102: {  	v6 =	vld [tilespmem:s22+$0x330]  }
0x103: {  	v7 =	vld [tilespmem:s22+$0x340]  }
0x104: {  	v8 =	vld [tilespmem:s22+$0x350]  }
0x105: {  	[tilespmem:s22+$0xC370] =	vst.add.f32.msk $0xffff, v2  }
0x106: {  	v2 =	vld [tilespmem:s22+$0x360]  }
0x107: {  	[tilespmem:s22+$0xC300] =	vst.add.f32.msk $0xffff, v3  }
0x108: {  	[tilespmem:s22+$0xC310] =	vst.add.f32.msk $0xffff, v4  }
0x109: {  	[tilespmem:s22+$0xC320] =	vst.add.f32.msk $0xffff, v5  }
0x10a: {  	[tilespmem:s22+$0xC330] =	vst.add.f32.msk $0xffff, v6  }
0x10b: {  	[tilespmem:s22+$0xC340] =	vst.add.f32.msk $0xffff, v7  }
0x10c: {  	s23 =	simm.s32 $0x0;
	s24 =	simm.s32 $0x1000;
	[tilespmem:s22+$0xC350] =	vst.add.f32.msk $0xffff, v8  }
.LBB2_13:
0x10d: {  	s23 =	sadd.s32 $0x8, s23;
	[tilespmem:s22+$0xC360] =	vst.add.f32.msk $0xffff, v2;
	s22 =	sshra.s32 s24, $0x2  }
0x10e: {  	v2 =	vld [tilespmem:s22+$0x370];
	p2 =	slt.u32 s23, $0x78  }
0x10f: {  	v3 =	vld [tilespmem:s22+$0x300]  }
0x110: {  	v4 =	vld [tilespmem:s22+$0x310]  }
0x111: {  	v5 =	vld [tilespmem:s22+$0x320]  }
0x112: {  	v6 =	vld [tilespmem:s22+$0x330]  }
0x113: {  	[tilespmem:s22+$0xC370] =	vst.add.f32.msk $0xffff, v2  }
0x114: {  	v7 =	vld [tilespmem:s22+$0x340]  }
0x115: {  	v8 =	vld [tilespmem:s22+$0x350]  }
0x116: {  	v2 =	vld [tilespmem:s22+$0x360]  }
0x117: {  	[tilespmem:s22+$0xC300] =	vst.add.f32.msk $0xffff, v3  }
.Ltmp7:
0x118: {  	[tilespmem:s22+$0xC310] =	vst.add.f32.msk $0xffff, v4;
	(pc) =	sbr.rel @p2 .LBB2_13-.Ltmp7, $4  }
0x119: {  	[tilespmem:s22+$0xC320] =	vst.add.f32.msk $0xffff, v5  }
0x11a: {  	[tilespmem:s22+$0xC330] =	vst.add.f32.msk $0xffff, v6  }
0x11b: {  	[tilespmem:s22+$0xC340] =	vst.add.f32.msk $0xffff, v7  }
0x11c: {  	s24 =	sadd.s32 $0x1000, s24;
	[tilespmem:s22+$0xC350] =	vst.add.f32.msk $0xffff, v8  }
0x11d: {  	[tilespmem:s22+$0xC360] =	vst.add.f32.msk $0xffff, v2;
	s22 =	simm.s32 $0x0  }
0x11e: {  	v2 =	vld [tilespmem:s22+$0x3F0]  }
0x11f: {  	v3 =	vld [tilespmem:s22+$0x380]  }
0x120: {  	v4 =	vld [tilespmem:s22+$0x390]  }
0x121: {  	v5 =	vld [tilespmem:s22+$0x3A0]  }
0x122: {  	v6 =	vld [tilespmem:s22+$0x3B0]  }
0x123: {  	v7 =	vld [tilespmem:s22+$0x3C0]  }
0x124: {  	v8 =	vld [tilespmem:s22+$0x3D0]  }
0x125: {  	[tilespmem:s22+$0xC3F0] =	vst.add.f32.msk $0xffff, v2  }
0x126: {  	v2 =	vld [tilespmem:s22+$0x3E0]  }
0x127: {  	[tilespmem:s22+$0xC380] =	vst.add.f32.msk $0xffff, v3  }
0x128: {  	[tilespmem:s22+$0xC390] =	vst.add.f32.msk $0xffff, v4  }
0x129: {  	[tilespmem:s22+$0xC3A0] =	vst.add.f32.msk $0xffff, v5  }
0x12a: {  	[tilespmem:s22+$0xC3B0] =	vst.add.f32.msk $0xffff, v6  }
0x12b: {  	[tilespmem:s22+$0xC3C0] =	vst.add.f32.msk $0xffff, v7  }
0x12c: {  	s23 =	simm.s32 $0x0;
	s24 =	simm.s32 $0x1000;
	[tilespmem:s22+$0xC3D0] =	vst.add.f32.msk $0xffff, v8  }
.LBB2_15:
0x12d: {  	s23 =	sadd.s32 $0x8, s23;
	[tilespmem:s22+$0xC3E0] =	vst.add.f32.msk $0xffff, v2;
	s22 =	sshra.s32 s24, $0x2  }
0x12e: {  	v2 =	vld [tilespmem:s22+$0x3F0];
	p2 =	slt.u32 s23, $0x78  }
0x12f: {  	v3 =	vld [tilespmem:s22+$0x380]  }
0x130: {  	v4 =	vld [tilespmem:s22+$0x390]  }
0x131: {  	v5 =	vld [tilespmem:s22+$0x3A0]  }
0x132: {  	v6 =	vld [tilespmem:s22+$0x3B0]  }
0x133: {  	[tilespmem:s22+$0xC3F0] =	vst.add.f32.msk $0xffff, v2  }
0x134: {  	v7 =	vld [tilespmem:s22+$0x3C0]  }
0x135: {  	v8 =	vld [tilespmem:s22+$0x3D0]  }
0x136: {  	v2 =	vld [tilespmem:s22+$0x3E0]  }
0x137: {  	[tilespmem:s22+$0xC380] =	vst.add.f32.msk $0xffff, v3  }
.Ltmp8:
0x138: {  	[tilespmem:s22+$0xC390] =	vst.add.f32.msk $0xffff, v4;
	(pc) =	sbr.rel @p2 .LBB2_15-.Ltmp8, $4  }
0x139: {  	[tilespmem:s22+$0xC3A0] =	vst.add.f32.msk $0xffff, v5  }
0x13a: {  	[tilespmem:s22+$0xC3B0] =	vst.add.f32.msk $0xffff, v6  }
0x13b: {  	[tilespmem:s22+$0xC3C0] =	vst.add.f32.msk $0xffff, v7  }
0x13c: {  	s24 =	sadd.s32 $0x1000, s24;
	[tilespmem:s22+$0xC3D0] =	vst.add.f32.msk $0xffff, v8  }
0x13d: {  	[tilespmem:s22+$0xC3E0] =	vst.add.f32.msk $0xffff, v2;
	s22 =	simm.s32 $0x0  }
0x13e: {  	v2 =	vld [tilespmem:s22+$0x470]  }
0x13f: {  	v3 =	vld [tilespmem:s22+$0x400]  }
0x140: {  	v4 =	vld [tilespmem:s22+$0x410]  }
0x141: {  	v5 =	vld [tilespmem:s22+$0x420]  }
0x142: {  	v6 =	vld [tilespmem:s22+$0x430]  }
0x143: {  	v7 =	vld [tilespmem:s22+$0x440]  }
0x144: {  	v8 =	vld [tilespmem:s22+$0x450]  }
0x145: {  	[tilespmem:s22+$0xC470] =	vst.add.f32.msk $0xffff, v2  }
0x146: {  	v2 =	vld [tilespmem:s22+$0x460]  }
0x147: {  	[tilespmem:s22+$0xC400] =	vst.add.f32.msk $0xffff, v3  }
0x148: {  	[tilespmem:s22+$0xC410] =	vst.add.f32.msk $0xffff, v4  }
0x149: {  	[tilespmem:s22+$0xC420] =	vst.add.f32.msk $0xffff, v5  }
0x14a: {  	[tilespmem:s22+$0xC430] =	vst.add.f32.msk $0xffff, v6  }
0x14b: {  	[tilespmem:s22+$0xC440] =	vst.add.f32.msk $0xffff, v7  }
0x14c: {  	s23 =	simm.s32 $0x0;
	s24 =	simm.s32 $0x1000;
	[tilespmem:s22+$0xC450] =	vst.add.f32.msk $0xffff, v8  }
.LBB2_17:
0x14d: {  	s23 =	sadd.s32 $0x8, s23;
	[tilespmem:s22+$0xC460] =	vst.add.f32.msk $0xffff, v2;
	s22 =	sshra.s32 s24, $0x2  }
0x14e: {  	v2 =	vld [tilespmem:s22+$0x470];
	p2 =	slt.u32 s23, $0x78  }
0x14f: {  	v3 =	vld [tilespmem:s22+$0x400]  }
0x150: {  	v4 =	vld [tilespmem:s22+$0x410]  }
0x151: {  	v5 =	vld [tilespmem:s22+$0x420]  }
0x152: {  	v6 =	vld [tilespmem:s22+$0x430]  }
0x153: {  	[tilespmem:s22+$0xC470] =	vst.add.f32.msk $0xffff, v2  }
0x154: {  	v7 =	vld [tilespmem:s22+$0x440]  }
0x155: {  	v8 =	vld [tilespmem:s22+$0x450]  }
0x156: {  	v2 =	vld [tilespmem:s22+$0x460]  }
0x157: {  	[tilespmem:s22+$0xC400] =	vst.add.f32.msk $0xffff, v3  }
.Ltmp9:
0x158: {  	[tilespmem:s22+$0xC410] =	vst.add.f32.msk $0xffff, v4;
	(pc) =	sbr.rel @p2 .LBB2_17-.Ltmp9, $4  }
0x159: {  	[tilespmem:s22+$0xC420] =	vst.add.f32.msk $0xffff, v5  }
0x15a: {  	[tilespmem:s22+$0xC430] =	vst.add.f32.msk $0xffff, v6  }
0x15b: {  	[tilespmem:s22+$0xC440] =	vst.add.f32.msk $0xffff, v7  }
0x15c: {  	s24 =	sadd.s32 $0x1000, s24;
	[tilespmem:s22+$0xC450] =	vst.add.f32.msk $0xffff, v8  }
0x15d: {  	[tilespmem:s22+$0xC460] =	vst.add.f32.msk $0xffff, v2;
	s22 =	simm.s32 $0x0  }
0x15e: {  	v2 =	vld [tilespmem:s22+$0x4F0]  }
0x15f: {  	v3 =	vld [tilespmem:s22+$0x480]  }
0x160: {  	v4 =	vld [tilespmem:s22+$0x490]  }
0x161: {  	v5 =	vld [tilespmem:s22+$0x4A0]  }
0x162: {  	v6 =	vld [tilespmem:s22+$0x4B0]  }
0x163: {  	v7 =	vld [tilespmem:s22+$0x4C0]  }
0x164: {  	v8 =	vld [tilespmem:s22+$0x4D0]  }
0x165: {  	[tilespmem:s22+$0xC4F0] =	vst.add.f32.msk $0xffff, v2  }
0x166: {  	v2 =	vld [tilespmem:s22+$0x4E0]  }
0x167: {  	[tilespmem:s22+$0xC480] =	vst.add.f32.msk $0xffff, v3  }
0x168: {  	[tilespmem:s22+$0xC490] =	vst.add.f32.msk $0xffff, v4  }
0x169: {  	[tilespmem:s22+$0xC4A0] =	vst.add.f32.msk $0xffff, v5  }
0x16a: {  	[tilespmem:s22+$0xC4B0] =	vst.add.f32.msk $0xffff, v6  }
0x16b: {  	[tilespmem:s22+$0xC4C0] =	vst.add.f32.msk $0xffff, v7  }
0x16c: {  	s23 =	simm.s32 $0x0;
	s24 =	simm.s32 $0x1000;
	[tilespmem:s22+$0xC4D0] =	vst.add.f32.msk $0xffff, v8  }
.LBB2_19:
0x16d: {  	s23 =	sadd.s32 $0x8, s23;
	[tilespmem:s22+$0xC4E0] =	vst.add.f32.msk $0xffff, v2;
	s22 =	sshra.s32 s24, $0x2  }
0x16e: {  	v2 =	vld [tilespmem:s22+$0x4F0];
	p2 =	slt.u32 s23, $0x78  }
0x16f: {  	v3 =	vld [tilespmem:s22+$0x480]  }
0x170: {  	v4 =	vld [tilespmem:s22+$0x490]  }
0x171: {  	v5 =	vld [tilespmem:s22+$0x4A0]  }
0x172: {  	v6 =	vld [tilespmem:s22+$0x4B0]  }
0x173: {  	[tilespmem:s22+$0xC4F0] =	vst.add.f32.msk $0xffff, v2  }
0x174: {  	v7 =	vld [tilespmem:s22+$0x4C0]  }
0x175: {  	v8 =	vld [tilespmem:s22+$0x4D0]  }
0x176: {  	v2 =	vld [tilespmem:s22+$0x4E0]  }
0x177: {  	[tilespmem:s22+$0xC480] =	vst.add.f32.msk $0xffff, v3  }
.Ltmp10:
0x178: {  	[tilespmem:s22+$0xC490] =	vst.add.f32.msk $0xffff, v4;
	(pc) =	sbr.rel @p2 .LBB2_19-.Ltmp10, $4  }
0x179: {  	[tilespmem:s22+$0xC4A0] =	vst.add.f32.msk $0xffff, v5  }
0x17a: {  	[tilespmem:s22+$0xC4B0] =	vst.add.f32.msk $0xffff, v6  }
0x17b: {  	[tilespmem:s22+$0xC4C0] =	vst.add.f32.msk $0xffff, v7  }
0x17c: {  	s24 =	sadd.s32 $0x1000, s24;
	[tilespmem:s22+$0xC4D0] =	vst.add.f32.msk $0xffff, v8  }
0x17d: {  	s23 =	smul.u32 $0x18, s31;
	_ =	sdelay $0x1  }
0x17e: {  	s23 =	sadd.s32 s6, s23  }
0x17f: {  	s23 =	sshll.u32 s23, $0x8  }
0x180: {  	[tilespmem:s22+$0xC4E0] =	vst.add.f32.msk $0xffff, v2;
	s24 =	sadd.s32 s4, s23  }
0x181: {  	[hbm4b:s24+s5] =	stream.linear.scatter [tilespmem:s19], [sflag:$0x7], $0x4000, $0x38;
	[tilespmem:$0x18100] =	vst v63  }
0x182: {  	v2 =	vld.msk @!p0 [tilespmem:s21+$0x18], $0xff;
	_ =	sdelay $0x4  }
0x183: {  	v3 =	vshll.u32 @!p0 v2, $0x4  }
0x184: {  	v4 =	vlaneseq.u32 @!p0;
	v2 =	vand.u32 @!p0 $0x7, v2;
	v3 =	vand.u32 @!p0 $0xFFFFFF80, v3  }
0x185: {  	v2 =	vor.u32 @!p0 v2, v3;
	v3 =	vand.u32 @!p0 $0x7, v4;
	v4 =	vshrl.u32 @!p0 v4, $0x3  }
0x186: {  	v2 =	vperm.xlane @!p0 v2, v3;
	v3 =	vmul.u32 @!p0 $0x8, v4;
	_ =	sdelay $0x1  }
0x187: {  	v2 =	vadd.s32 @!p0 v3, v2;
	_ =	sdelay $0x3  }
0x188: {  	s22 =	simm.s32 @!p0 $0x0;
	s21 =	simm.s32 @!p0 $0x100  }
0x189: {  	[tilespmem:s21], [sflag:$0x1] =	stream.indirect_vreg.gather @!p0 [hbm4b:s2+s22], $0x80, v2, vm1, $0xb8;
	[tilespmem:$0x18100] =	vst v63  }
0x18a: {  	s21 =	simm.s32 @!p0 $0x900  }
0x18b: {  	[tilespmem:s21], [sflag:$0x1] =	stream.indirect_vreg.gather @!p0 [hbm4b:s10+s22], $0x80, v2, vm1, $0xb8;
	[tilespmem:$0x18100] =	vst v63  }
0x18c: {  	s21 =	simm.s32 @!p0 $0x1100  }
0x18d: {  	[tilespmem:s21], [sflag:$0x1] =	stream.indirect_vreg.gather @!p0 [hbm4b:s11+s22], $0x80, v2, vm1, $0xb8;
	[tilespmem:$0x18100] =	vst v63  }
0x18e: {  	s21 =	simm.s32 @!p0 $0x1900  }
0x18f: {  	[tilespmem:s21], [sflag:$0x1] =	stream.indirect_vreg.gather @!p0 [hbm4b:s12+s22], $0x80, v2, vm1, $0xb8;
	[tilespmem:$0x18100] =	vst v63  }
0x190: {  	s21 =	simm.s32 @!p0 $0x2100  }
0x191: {  	[tilespmem:s21], [sflag:$0x1] =	stream.indirect_vreg.gather @!p0 [hbm4b:s13+s22], $0x80, v2, vm1, $0xb8;
	[tilespmem:$0x18100] =	vst v63  }
0x192: {  	s21 =	simm.s32 @!p0 $0x2900  }
0x193: {  	[tilespmem:s21], [sflag:$0x1] =	stream.indirect_vreg.gather @!p0 [hbm4b:s14+s22], $0x80, v2, vm1, $0xb8;
	[tilespmem:$0x18100] =	vst v63  }
0x194: {  	s21 =	simm.s32 @!p0 $0x3100  }
0x195: {  	[tilespmem:s21], [sflag:$0x1] =	stream.indirect_vreg.gather @!p0 [hbm4b:s15+s22], $0x80, v2, vm1, $0xb8;
	[tilespmem:$0x18100] =	vst v63  }
0x196: {  	p1 =	por p1, p0;
	s21 =	simm.s32 @!p0 $0x3900  }
0x197: {  	[tilespmem:s21], [sflag:$0x1] =	stream.indirect_vreg.gather @!p0 [hbm4b:s16+s22], $0x80, v2, vm1, $0xb8;
	[tilespmem:$0x18100] =	vst v63  }
0x198: {  	s23 =	simm.s32 @!p1 $0x9;
	s21 =	sadd.s32 @!p0 $0x2, s0  }
0x199: {  	_ =	swait.ge @!p1 [sflag:s23], $0x4000;
	s24 =	sadd.s32 @!p0 s7, s21  }
0x19a: {  	[sflag:s23] =	ssyncset.done @!p1 $0x0;
	s24 =	sshll.u32 @!p0 s24, $0xB  }
0x19b: {  	[sflag:s23] =	ssyncadd.s32 @!p1 $0xFFFFC000;
	s23 =	sadd.s32 @!p0 s1, s24;
	s24 =	simm.s32 @!p0 $0x14100  }
0x19c: {  	[tilespmem:s24], [sflag:$0x6] =	stream.linear.gather @!p0 [hbm4b:s23+s22], $0x4000, $0x38;
	[tilespmem:$0x18100] =	vst v63  }
0x19d: {  	_ =	swait.ge [sflag:s29], $0x4000  }
0x19e: {  	[sflag:s29] =	ssyncset.done $0x0  }
0x19f: {  	[sflag:s29] =	ssyncadd.s32 $0xFFFFC000  }
0x1a0: {  	_ =	swait.ge [sflag:s8], $0x4000  }
0x1a1: {  	[sflag:s8] =	ssyncset.done $0x0  }
0x1a2: {  	s22 =	simm.s32 $0x0;
	[sflag:s8] =	ssyncadd.s32 $0xFFFFC000  }
0x1a3: {  	v2 =	vld [tilespmem:s22+$0x4170]  }
0x1a4: {  	v3 =	vld [tilespmem:s22+$0x4100]  }
0x1a5: {  	v63 =	vld [tilespmem:s22+$0x4110]  }
0x1a6: {  	v5 =	vld [tilespmem:s22+$0x4120]  }
0x1a7: {  	v6 =	vld [tilespmem:s22+$0x4130]  }
0x1a8: {  	v7 =	vld [tilespmem:s22+$0x4140]  }
0x1a9: {  	v8 =	vld [tilespmem:s22+$0x4150]  }
0x1aa: {  	[tilespmem:s22+$0x10170] =	vst.add.f32.msk $0xffff, v2  }
0x1ab: {  	v2 =	vld [tilespmem:s22+$0x4160]  }
0x1ac: {  	[tilespmem:s22+$0x10100] =	vst.add.f32.msk $0xffff, v3  }
0x1ad: {  	[tilespmem:s22+$0x10110] =	vst.add.f32.msk $0xffff, v63  }
0x1ae: {  	[tilespmem:s22+$0x10120] =	vst.add.f32.msk $0xffff, v5  }
0x1af: {  	[tilespmem:s22+$0x10130] =	vst.add.f32.msk $0xffff, v6  }
0x1b0: {  	[tilespmem:s22+$0x10140] =	vst.add.f32.msk $0xffff, v7  }
0x1b1: {  	s21 =	simm.s32 @p0 $0x20;
	s23 =	simm.s32 $0x0;
	s24 =	simm.s32 $0x1000;
	[tilespmem:s22+$0x10150] =	vst.add.f32.msk $0xffff, v8  }
.LBB2_21:
0x1b2: {  	s23 =	sadd.s32 $0x8, s23;
	[tilespmem:s22+$0x10160] =	vst.add.f32.msk $0xffff, v2;
	s22 =	sshra.s32 s24, $0x2  }
0x1b3: {  	v2 =	vld [tilespmem:s22+$0x4170];
	p1 =	slt.u32 s23, $0x78  }
0x1b4: {  	v3 =	vld [tilespmem:s22+$0x4100]  }
0x1b5: {  	v4 =	vld [tilespmem:s22+$0x4110]  }
0x1b6: {  	v5 =	vld [tilespmem:s22+$0x4120]  }
0x1b7: {  	v6 =	vld [tilespmem:s22+$0x4130]  }
0x1b8: {  	[tilespmem:s22+$0x10170] =	vst.add.f32.msk $0xffff, v2  }
0x1b9: {  	v7 =	vld [tilespmem:s22+$0x4140]  }
0x1ba: {  	v8 =	vld [tilespmem:s22+$0x4150]  }
0x1bb: {  	v2 =	vld [tilespmem:s22+$0x4160]  }
0x1bc: {  	[tilespmem:s22+$0x10100] =	vst.add.f32.msk $0xffff, v3  }
.Ltmp11:
0x1bd: {  	[tilespmem:s22+$0x10110] =	vst.add.f32.msk $0xffff, v4;
	(pc) =	sbr.rel @p1 .LBB2_21-.Ltmp11, $4  }
0x1be: {  	[tilespmem:s22+$0x10120] =	vst.add.f32.msk $0xffff, v5  }
0x1bf: {  	[tilespmem:s22+$0x10130] =	vst.add.f32.msk $0xffff, v6  }
0x1c0: {  	[tilespmem:s22+$0x10140] =	vst.add.f32.msk $0xffff, v7  }
0x1c1: {  	s24 =	sadd.s32 $0x1000, s24;
	[tilespmem:s22+$0x10150] =	vst.add.f32.msk $0xffff, v8  }
0x1c2: {  	[tilespmem:s22+$0x10160] =	vst.add.f32.msk $0xffff, v2;
	s22 =	simm.s32 $0x0  }
0x1c3: {  	v2 =	vld [tilespmem:s22+$0x41F0]  }
0x1c4: {  	v3 =	vld [tilespmem:s22+$0x4180]  }
0x1c5: {  	v4 =	vld [tilespmem:s22+$0x4190]  }
0x1c6: {  	v5 =	vld [tilespmem:s22+$0x41A0]  }
0x1c7: {  	v6 =	vld [tilespmem:s22+$0x41B0]  }
0x1c8: {  	v7 =	vld [tilespmem:s22+$0x41C0]  }
0x1c9: {  	v8 =	vld [tilespmem:s22+$0x41D0]  }
0x1ca: {  	[tilespmem:s22+$0x101F0] =	vst.add.f32.msk $0xffff, v2  }
0x1cb: {  	v2 =	vld [tilespmem:s22+$0x41E0]  }
0x1cc: {  	[tilespmem:s22+$0x10180] =	vst.add.f32.msk $0xffff, v3  }
0x1cd: {  	[tilespmem:s22+$0x10190] =	vst.add.f32.msk $0xffff, v4  }
0x1ce: {  	[tilespmem:s22+$0x101A0] =	vst.add.f32.msk $0xffff, v5  }
0x1cf: {  	[tilespmem:s22+$0x101B0] =	vst.add.f32.msk $0xffff, v6  }
0x1d0: {  	[tilespmem:s22+$0x101C0] =	vst.add.f32.msk $0xffff, v7  }
0x1d1: {  	s23 =	simm.s32 $0x0;
	s24 =	simm.s32 $0x1000;
	[tilespmem:s22+$0x101D0] =	vst.add.f32.msk $0xffff, v8  }
.LBB2_23:
0x1d2: {  	s23 =	sadd.s32 $0x8, s23;
	[tilespmem:s22+$0x101E0] =	vst.add.f32.msk $0xffff, v2;
	s22 =	sshra.s32 s24, $0x2  }
0x1d3: {  	v2 =	vld [tilespmem:s22+$0x41F0];
	p1 =	slt.u32 s23, $0x78  }
0x1d4: {  	v3 =	vld [tilespmem:s22+$0x4180]  }
0x1d5: {  	v4 =	vld [tilespmem:s22+$0x4190]  }
0x1d6: {  	v5 =	vld [tilespmem:s22+$0x41A0]  }
0x1d7: {  	v6 =	vld [tilespmem:s22+$0x41B0]  }
0x1d8: {  	[tilespmem:s22+$0x101F0] =	vst.add.f32.msk $0xffff, v2  }
0x1d9: {  	v7 =	vld [tilespmem:s22+$0x41C0]  }
0x1da: {  	v8 =	vld [tilespmem:s22+$0x41D0]  }
0x1db: {  	v2 =	vld [tilespmem:s22+$0x41E0]  }
0x1dc: {  	[tilespmem:s22+$0x10180] =	vst.add.f32.msk $0xffff, v3  }
.Ltmp12:
0x1dd: {  	[tilespmem:s22+$0x10190] =	vst.add.f32.msk $0xffff, v4;
	(pc) =	sbr.rel @p1 .LBB2_23-.Ltmp12, $4  }
0x1de: {  	[tilespmem:s22+$0x101A0] =	vst.add.f32.msk $0xffff, v5  }
0x1df: {  	[tilespmem:s22+$0x101B0] =	vst.add.f32.msk $0xffff, v6  }
0x1e0: {  	[tilespmem:s22+$0x101C0] =	vst.add.f32.msk $0xffff, v7  }
0x1e1: {  	s24 =	sadd.s32 $0x1000, s24;
	[tilespmem:s22+$0x101D0] =	vst.add.f32.msk $0xffff, v8  }
0x1e2: {  	[tilespmem:s22+$0x101E0] =	vst.add.f32.msk $0xffff, v2;
	s22 =	simm.s32 $0x0  }
0x1e3: {  	v2 =	vld [tilespmem:s22+$0x4270]  }
0x1e4: {  	v3 =	vld [tilespmem:s22+$0x4200]  }
0x1e5: {  	v4 =	vld [tilespmem:s22+$0x4210]  }
0x1e6: {  	v5 =	vld [tilespmem:s22+$0x4220]  }
0x1e7: {  	v6 =	vld [tilespmem:s22+$0x4230]  }
0x1e8: {  	v7 =	vld [tilespmem:s22+$0x4240]  }
0x1e9: {  	v8 =	vld [tilespmem:s22+$0x4250]  }
0x1ea: {  	[tilespmem:s22+$0x10270] =	vst.add.f32.msk $0xffff, v2  }
0x1eb: {  	v2 =	vld [tilespmem:s22+$0x4260]  }
0x1ec: {  	[tilespmem:s22+$0x10200] =	vst.add.f32.msk $0xffff, v3  }
0x1ed: {  	[tilespmem:s22+$0x10210] =	vst.add.f32.msk $0xffff, v4  }
0x1ee: {  	[tilespmem:s22+$0x10220] =	vst.add.f32.msk $0xffff, v5  }
0x1ef: {  	[tilespmem:s22+$0x10230] =	vst.add.f32.msk $0xffff, v6  }
0x1f0: {  	[tilespmem:s22+$0x10240] =	vst.add.f32.msk $0xffff, v7  }
0x1f1: {  	s23 =	simm.s32 $0x0;
	s24 =	simm.s32 $0x1000;
	[tilespmem:s22+$0x10250] =	vst.add.f32.msk $0xffff, v8  }
.LBB2_25:
0x1f2: {  	s23 =	sadd.s32 $0x8, s23;
	[tilespmem:s22+$0x10260] =	vst.add.f32.msk $0xffff, v2;
	s22 =	sshra.s32 s24, $0x2  }
0x1f3: {  	v2 =	vld [tilespmem:s22+$0x4270];
	p1 =	slt.u32 s23, $0x78  }
0x1f4: {  	v3 =	vld [tilespmem:s22+$0x4200]  }
0x1f5: {  	v4 =	vld [tilespmem:s22+$0x4210]  }
0x1f6: {  	v5 =	vld [tilespmem:s22+$0x4220]  }
0x1f7: {  	v6 =	vld [tilespmem:s22+$0x4230]  }
0x1f8: {  	[tilespmem:s22+$0x10270] =	vst.add.f32.msk $0xffff, v2  }
0x1f9: {  	v7 =	vld [tilespmem:s22+$0x4240]  }
0x1fa: {  	v8 =	vld [tilespmem:s22+$0x4250]  }
0x1fb: {  	v2 =	vld [tilespmem:s22+$0x4260]  }
0x1fc: {  	[tilespmem:s22+$0x10200] =	vst.add.f32.msk $0xffff, v3  }
.Ltmp13:
0x1fd: {  	[tilespmem:s22+$0x10210] =	vst.add.f32.msk $0xffff, v4;
	(pc) =	sbr.rel @p1 .LBB2_25-.Ltmp13, $4  }
0x1fe: {  	[tilespmem:s22+$0x10220] =	vst.add.f32.msk $0xffff, v5  }
0x1ff: {  	[tilespmem:s22+$0x10230] =	vst.add.f32.msk $0xffff, v6  }
0x200: {  	[tilespmem:s22+$0x10240] =	vst.add.f32.msk $0xffff, v7  }
0x201: {  	s24 =	sadd.s32 $0x1000, s24;
	[tilespmem:s22+$0x10250] =	vst.add.f32.msk $0xffff, v8  }
0x202: {  	[tilespmem:s22+$0x10260] =	vst.add.f32.msk $0xffff, v2;
	s22 =	simm.s32 $0x0  }
0x203: {  	v2 =	vld [tilespmem:s22+$0x42F0]  }
0x204: {  	v3 =	vld [tilespmem:s22+$0x4280]  }
0x205: {  	v4 =	vld [tilespmem:s22+$0x4290]  }
0x206: {  	v5 =	vld [tilespmem:s22+$0x42A0]  }
0x207: {  	v6 =	vld [tilespmem:s22+$0x42B0]  }
0x208: {  	v7 =	vld [tilespmem:s22+$0x42C0]  }
0x209: {  	v8 =	vld [tilespmem:s22+$0x42D0]  }
0x20a: {  	[tilespmem:s22+$0x102F0] =	vst.add.f32.msk $0xffff, v2  }
0x20b: {  	v2 =	vld [tilespmem:s22+$0x42E0]  }
0x20c: {  	[tilespmem:s22+$0x10280] =	vst.add.f32.msk $0xffff, v3  }
0x20d: {  	[tilespmem:s22+$0x10290] =	vst.add.f32.msk $0xffff, v4  }
0x20e: {  	[tilespmem:s22+$0x102A0] =	vst.add.f32.msk $0xffff, v5  }
0x20f: {  	[tilespmem:s22+$0x102B0] =	vst.add.f32.msk $0xffff, v6  }
0x210: {  	[tilespmem:s22+$0x102C0] =	vst.add.f32.msk $0xffff, v7  }
0x211: {  	s23 =	simm.s32 $0x0;
	s24 =	simm.s32 $0x1000;
	[tilespmem:s22+$0x102D0] =	vst.add.f32.msk $0xffff, v8  }
.LBB2_27:
0x212: {  	s23 =	sadd.s32 $0x8, s23;
	[tilespmem:s22+$0x102E0] =	vst.add.f32.msk $0xffff, v2;
	s22 =	sshra.s32 s24, $0x2  }
0x213: {  	v2 =	vld [tilespmem:s22+$0x42F0];
	p1 =	slt.u32 s23, $0x78  }
0x214: {  	v3 =	vld [tilespmem:s22+$0x4280]  }
0x215: {  	v4 =	vld [tilespmem:s22+$0x4290]  }
0x216: {  	v5 =	vld [tilespmem:s22+$0x42A0]  }
0x217: {  	v6 =	vld [tilespmem:s22+$0x42B0]  }
0x218: {  	[tilespmem:s22+$0x102F0] =	vst.add.f32.msk $0xffff, v2  }
0x219: {  	v7 =	vld [tilespmem:s22+$0x42C0]  }
0x21a: {  	v8 =	vld [tilespmem:s22+$0x42D0]  }
0x21b: {  	v2 =	vld [tilespmem:s22+$0x42E0]  }
0x21c: {  	[tilespmem:s22+$0x10280] =	vst.add.f32.msk $0xffff, v3  }
.Ltmp14:
0x21d: {  	[tilespmem:s22+$0x10290] =	vst.add.f32.msk $0xffff, v4;
	(pc) =	sbr.rel @p1 .LBB2_27-.Ltmp14, $4  }
0x21e: {  	[tilespmem:s22+$0x102A0] =	vst.add.f32.msk $0xffff, v5  }
0x21f: {  	[tilespmem:s22+$0x102B0] =	vst.add.f32.msk $0xffff, v6  }
0x220: {  	[tilespmem:s22+$0x102C0] =	vst.add.f32.msk $0xffff, v7  }
0x221: {  	s24 =	sadd.s32 $0x1000, s24;
	[tilespmem:s22+$0x102D0] =	vst.add.f32.msk $0xffff, v8  }
0x222: {  	[tilespmem:s22+$0x102E0] =	vst.add.f32.msk $0xffff, v2;
	s22 =	simm.s32 $0x0  }
0x223: {  	v2 =	vld [tilespmem:s22+$0x4370]  }
0x224: {  	v3 =	vld [tilespmem:s22+$0x4300]  }
0x225: {  	v4 =	vld [tilespmem:s22+$0x4310]  }
0x226: {  	v5 =	vld [tilespmem:s22+$0x4320]  }
0x227: {  	v6 =	vld [tilespmem:s22+$0x4330]  }
0x228: {  	v7 =	vld [tilespmem:s22+$0x4340]  }
0x229: {  	v8 =	vld [tilespmem:s22+$0x4350]  }
0x22a: {  	[tilespmem:s22+$0x10370] =	vst.add.f32.msk $0xffff, v2  }
0x22b: {  	v2 =	vld [tilespmem:s22+$0x4360]  }
0x22c: {  	[tilespmem:s22+$0x10300] =	vst.add.f32.msk $0xffff, v3  }
0x22d: {  	[tilespmem:s22+$0x10310] =	vst.add.f32.msk $0xffff, v4  }
0x22e: {  	[tilespmem:s22+$0x10320] =	vst.add.f32.msk $0xffff, v5  }
0x22f: {  	[tilespmem:s22+$0x10330] =	vst.add.f32.msk $0xffff, v6  }
0x230: {  	[tilespmem:s22+$0x10340] =	vst.add.f32.msk $0xffff, v7  }
0x231: {  	s23 =	simm.s32 $0x0;
	s24 =	simm.s32 $0x1000;
	[tilespmem:s22+$0x10350] =	vst.add.f32.msk $0xffff, v8  }
.LBB2_29:
0x232: {  	s23 =	sadd.s32 $0x8, s23;
	[tilespmem:s22+$0x10360] =	vst.add.f32.msk $0xffff, v2;
	s22 =	sshra.s32 s24, $0x2  }
0x233: {  	v2 =	vld [tilespmem:s22+$0x4370];
	p1 =	slt.u32 s23, $0x78  }
0x234: {  	v3 =	vld [tilespmem:s22+$0x4300]  }
0x235: {  	v4 =	vld [tilespmem:s22+$0x4310]  }
0x236: {  	v5 =	vld [tilespmem:s22+$0x4320]  }
0x237: {  	v6 =	vld [tilespmem:s22+$0x4330]  }
0x238: {  	[tilespmem:s22+$0x10370] =	vst.add.f32.msk $0xffff, v2  }
0x239: {  	v7 =	vld [tilespmem:s22+$0x4340]  }
0x23a: {  	v8 =	vld [tilespmem:s22+$0x4350]  }
0x23b: {  	v2 =	vld [tilespmem:s22+$0x4360]  }
0x23c: {  	[tilespmem:s22+$0x10300] =	vst.add.f32.msk $0xffff, v3  }
.Ltmp15:
0x23d: {  	[tilespmem:s22+$0x10310] =	vst.add.f32.msk $0xffff, v4;
	(pc) =	sbr.rel @p1 .LBB2_29-.Ltmp15, $4  }
0x23e: {  	[tilespmem:s22+$0x10320] =	vst.add.f32.msk $0xffff, v5  }
0x23f: {  	[tilespmem:s22+$0x10330] =	vst.add.f32.msk $0xffff, v6  }
0x240: {  	[tilespmem:s22+$0x10340] =	vst.add.f32.msk $0xffff, v7  }
0x241: {  	s24 =	sadd.s32 $0x1000, s24;
	[tilespmem:s22+$0x10350] =	vst.add.f32.msk $0xffff, v8  }
0x242: {  	[tilespmem:s22+$0x10360] =	vst.add.f32.msk $0xffff, v2;
	s22 =	simm.s32 $0x0  }
0x243: {  	v2 =	vld [tilespmem:s22+$0x43F0]  }
0x244: {  	v3 =	vld [tilespmem:s22+$0x4380]  }
0x245: {  	v4 =	vld [tilespmem:s22+$0x4390]  }
0x246: {  	v5 =	vld [tilespmem:s22+$0x43A0]  }
0x247: {  	v6 =	vld [tilespmem:s22+$0x43B0]  }
0x248: {  	v7 =	vld [tilespmem:s22+$0x43C0]  }
0x249: {  	v8 =	vld [tilespmem:s22+$0x43D0]  }
0x24a: {  	[tilespmem:s22+$0x103F0] =	vst.add.f32.msk $0xffff, v2  }
0x24b: {  	v2 =	vld [tilespmem:s22+$0x43E0]  }
0x24c: {  	[tilespmem:s22+$0x10380] =	vst.add.f32.msk $0xffff, v3  }
0x24d: {  	[tilespmem:s22+$0x10390] =	vst.add.f32.msk $0xffff, v4  }
0x24e: {  	[tilespmem:s22+$0x103A0] =	vst.add.f32.msk $0xffff, v5  }
0x24f: {  	[tilespmem:s22+$0x103B0] =	vst.add.f32.msk $0xffff, v6  }
0x250: {  	[tilespmem:s22+$0x103C0] =	vst.add.f32.msk $0xffff, v7  }
0x251: {  	s23 =	simm.s32 $0x0;
	s24 =	simm.s32 $0x1000;
	[tilespmem:s22+$0x103D0] =	vst.add.f32.msk $0xffff, v8  }
.LBB2_31:
0x252: {  	s23 =	sadd.s32 $0x8, s23;
	[tilespmem:s22+$0x103E0] =	vst.add.f32.msk $0xffff, v2;
	s22 =	sshra.s32 s24, $0x2  }
0x253: {  	v2 =	vld [tilespmem:s22+$0x43F0];
	p1 =	slt.u32 s23, $0x78  }
0x254: {  	v3 =	vld [tilespmem:s22+$0x4380]  }
0x255: {  	v4 =	vld [tilespmem:s22+$0x4390]  }
0x256: {  	v5 =	vld [tilespmem:s22+$0x43A0]  }
0x257: {  	v6 =	vld [tilespmem:s22+$0x43B0]  }
0x258: {  	[tilespmem:s22+$0x103F0] =	vst.add.f32.msk $0xffff, v2  }
0x259: {  	v7 =	vld [tilespmem:s22+$0x43C0]  }
0x25a: {  	v8 =	vld [tilespmem:s22+$0x43D0]  }
0x25b: {  	v2 =	vld [tilespmem:s22+$0x43E0]  }
0x25c: {  	[tilespmem:s22+$0x10380] =	vst.add.f32.msk $0xffff, v3  }
.Ltmp16:
0x25d: {  	[tilespmem:s22+$0x10390] =	vst.add.f32.msk $0xffff, v4;
	(pc) =	sbr.rel @p1 .LBB2_31-.Ltmp16, $4  }
0x25e: {  	[tilespmem:s22+$0x103A0] =	vst.add.f32.msk $0xffff, v5  }
0x25f: {  	[tilespmem:s22+$0x103B0] =	vst.add.f32.msk $0xffff, v6  }
0x260: {  	[tilespmem:s22+$0x103C0] =	vst.add.f32.msk $0xffff, v7  }
0x261: {  	s24 =	sadd.s32 $0x1000, s24;
	[tilespmem:s22+$0x103D0] =	vst.add.f32.msk $0xffff, v8  }
0x262: {  	[tilespmem:s22+$0x103E0] =	vst.add.f32.msk $0xffff, v2;
	s22 =	simm.s32 $0x0  }
0x263: {  	v2 =	vld [tilespmem:s22+$0x4470]  }
0x264: {  	v3 =	vld [tilespmem:s22+$0x4400]  }
0x265: {  	v4 =	vld [tilespmem:s22+$0x4410]  }
0x266: {  	v5 =	vld [tilespmem:s22+$0x4420]  }
0x267: {  	v6 =	vld [tilespmem:s22+$0x4430]  }
0x268: {  	v7 =	vld [tilespmem:s22+$0x4440]  }
0x269: {  	v8 =	vld [tilespmem:s22+$0x4450]  }
0x26a: {  	[tilespmem:s22+$0x10470] =	vst.add.f32.msk $0xffff, v2  }
0x26b: {  	v2 =	vld [tilespmem:s22+$0x4460]  }
0x26c: {  	[tilespmem:s22+$0x10400] =	vst.add.f32.msk $0xffff, v3  }
0x26d: {  	[tilespmem:s22+$0x10410] =	vst.add.f32.msk $0xffff, v4  }
0x26e: {  	[tilespmem:s22+$0x10420] =	vst.add.f32.msk $0xffff, v5  }
0x26f: {  	[tilespmem:s22+$0x10430] =	vst.add.f32.msk $0xffff, v6  }
0x270: {  	[tilespmem:s22+$0x10440] =	vst.add.f32.msk $0xffff, v7  }
0x271: {  	s23 =	simm.s32 $0x0;
	s24 =	simm.s32 $0x1000;
	[tilespmem:s22+$0x10450] =	vst.add.f32.msk $0xffff, v8  }
.LBB2_33:
0x272: {  	s23 =	sadd.s32 $0x8, s23;
	[tilespmem:s22+$0x10460] =	vst.add.f32.msk $0xffff, v2;
	s22 =	sshra.s32 s24, $0x2  }
0x273: {  	v2 =	vld [tilespmem:s22+$0x4470];
	p1 =	slt.u32 s23, $0x78  }
0x274: {  	v3 =	vld [tilespmem:s22+$0x4400]  }
0x275: {  	v4 =	vld [tilespmem:s22+$0x4410]  }
0x276: {  	v5 =	vld [tilespmem:s22+$0x4420]  }
0x277: {  	v6 =	vld [tilespmem:s22+$0x4430]  }
0x278: {  	[tilespmem:s22+$0x10470] =	vst.add.f32.msk $0xffff, v2  }
0x279: {  	v7 =	vld [tilespmem:s22+$0x4440]  }
0x27a: {  	v8 =	vld [tilespmem:s22+$0x4450]  }
0x27b: {  	v2 =	vld [tilespmem:s22+$0x4460]  }
0x27c: {  	[tilespmem:s22+$0x10400] =	vst.add.f32.msk $0xffff, v3  }
.Ltmp17:
0x27d: {  	[tilespmem:s22+$0x10410] =	vst.add.f32.msk $0xffff, v4;
	(pc) =	sbr.rel @p1 .LBB2_33-.Ltmp17, $4  }
0x27e: {  	[tilespmem:s22+$0x10420] =	vst.add.f32.msk $0xffff, v5  }
0x27f: {  	[tilespmem:s22+$0x10430] =	vst.add.f32.msk $0xffff, v6  }
0x280: {  	[tilespmem:s22+$0x10440] =	vst.add.f32.msk $0xffff, v7  }
0x281: {  	s24 =	sadd.s32 $0x1000, s24;
	[tilespmem:s22+$0x10450] =	vst.add.f32.msk $0xffff, v8  }
0x282: {  	[tilespmem:s22+$0x10460] =	vst.add.f32.msk $0xffff, v2;
	s22 =	simm.s32 $0x0  }
0x283: {  	v2 =	vld [tilespmem:s22+$0x44F0]  }
0x284: {  	v3 =	vld [tilespmem:s22+$0x4480]  }
0x285: {  	v4 =	vld [tilespmem:s22+$0x4490]  }
0x286: {  	v5 =	vld [tilespmem:s22+$0x44A0]  }
0x287: {  	v6 =	vld [tilespmem:s22+$0x44B0]  }
0x288: {  	v7 =	vld [tilespmem:s22+$0x44C0]  }
0x289: {  	v8 =	vld [tilespmem:s22+$0x44D0]  }
0x28a: {  	[tilespmem:s22+$0x104F0] =	vst.add.f32.msk $0xffff, v2  }
0x28b: {  	v2 =	vld [tilespmem:s22+$0x44E0]  }
0x28c: {  	[tilespmem:s22+$0x10480] =	vst.add.f32.msk $0xffff, v3  }
0x28d: {  	[tilespmem:s22+$0x10490] =	vst.add.f32.msk $0xffff, v4  }
0x28e: {  	[tilespmem:s22+$0x104A0] =	vst.add.f32.msk $0xffff, v5  }
0x28f: {  	[tilespmem:s22+$0x104B0] =	vst.add.f32.msk $0xffff, v6  }
0x290: {  	[tilespmem:s22+$0x104C0] =	vst.add.f32.msk $0xffff, v7  }
0x291: {  	s23 =	simm.s32 $0x0;
	s24 =	simm.s32 $0x1000;
	[tilespmem:s22+$0x104D0] =	vst.add.f32.msk $0xffff, v8  }
.LBB2_35:
0x292: {  	s23 =	sadd.s32 $0x8, s23;
	[tilespmem:s22+$0x104E0] =	vst.add.f32.msk $0xffff, v2;
	s22 =	sshra.s32 s24, $0x2  }
0x293: {  	v2 =	vld [tilespmem:s22+$0x44F0];
	p1 =	slt.u32 s23, $0x78  }
0x294: {  	v3 =	vld [tilespmem:s22+$0x4480]  }
0x295: {  	v4 =	vld [tilespmem:s22+$0x4490]  }
0x296: {  	v5 =	vld [tilespmem:s22+$0x44A0]  }
0x297: {  	v6 =	vld [tilespmem:s22+$0x44B0]  }
0x298: {  	[tilespmem:s22+$0x104F0] =	vst.add.f32.msk $0xffff, v2  }
0x299: {  	v7 =	vld [tilespmem:s22+$0x44C0]  }
0x29a: {  	v8 =	vld [tilespmem:s22+$0x44D0]  }
0x29b: {  	v2 =	vld [tilespmem:s22+$0x44E0]  }
0x29c: {  	[tilespmem:s22+$0x10480] =	vst.add.f32.msk $0xffff, v3  }
.Ltmp18:
0x29d: {  	[tilespmem:s22+$0x10490] =	vst.add.f32.msk $0xffff, v4;
	(pc) =	sbr.rel @p1 .LBB2_35-.Ltmp18, $4  }
0x29e: {  	[tilespmem:s22+$0x104A0] =	vst.add.f32.msk $0xffff, v5  }
0x29f: {  	[tilespmem:s22+$0x104B0] =	vst.add.f32.msk $0xffff, v6  }
0x2a0: {  	[tilespmem:s22+$0x104C0] =	vst.add.f32.msk $0xffff, v7  }
0x2a1: {  	s24 =	sadd.s32 $0x1000, s24;
	[tilespmem:s22+$0x104D0] =	vst.add.f32.msk $0xffff, v8  }
.Ltmp19:
0x2a2: {  	(pc) =	sbr.rel @p0 .LBB2_54-.Ltmp19, $3  }
0x2a3: {  	_ =	sdelay $0x1  }
0x2a4: {  	[tilespmem:s22+$0x104E0] =	vst.add.f32.msk $0xffff, v2;
	s3 =	sadd.s32 s4, s3  }
0x2a5: {  	[hbm4b:s3+s5] =	stream.linear.scatter [tilespmem:s25], [sflag:$0x8], $0x4000, $0x38;
	[tilespmem:$0x18100] =	vst v63  }
0x2a6: {  	s3 =	smul.u32 $0x60, s31;
	_ =	sdelay $0x1  }
0x2a7: {  	s3 =	sshra.s32 s3, $0x2  }
0x2a8: {  	v2 =	vld.msk [tilespmem:s3+$0x20], $0xff;
	_ =	sdelay $0x4  }
0x2a9: {  	v3 =	vshll.u32 v2, $0x4  }
0x2aa: {  	v2 =	vand.u32 $0x7, v2;
	v3 =	vand.u32 $0xFFFFFF80, v3  }
0x2ab: {  	v2 =	vor.u32 v2, v3  }
0x2ac: {  	v2 =	vperm.xlane v2, v0;
	_ =	sdelay $0x1  }
0x2ad: {  	v2 =	vadd.s32 v1, v2;
	_ =	sdelay $0x3  }
0x2ae: {  	s22 =	simm.s32 $0x4100;
	s3 =	simm.s32 $0x0  }
0x2af: {  	[tilespmem:s22], [sflag:$0x2] =	stream.indirect_vreg.gather [hbm4b:s2+s3], $0x80, v2, vm0, $0xb8;
	[tilespmem:$0x18100] =	vst v63  }
0x2b0: {  	s24 =	simm.s32 $0x4900  }
0x2b1: {  	[tilespmem:s24], [sflag:$0x2] =	stream.indirect_vreg.gather [hbm4b:s10+s3], $0x80, v2, vm0, $0xb8;
	[tilespmem:$0x18100] =	vst v63  }
0x2b2: {  	s23 =	simm.s32 $0x5100  }
0x2b3: {  	[tilespmem:s23], [sflag:$0x2] =	stream.indirect_vreg.gather [hbm4b:s11+s3], $0x80, v2, vm0, $0xb8;
	[tilespmem:$0x18100] =	vst v63  }
0x2b4: {  	s24 =	simm.s32 $0x5900  }
0x2b5: {  	[tilespmem:s24], [sflag:$0x2] =	stream.indirect_vreg.gather [hbm4b:s12+s3], $0x80, v2, vm0, $0xb8;
	[tilespmem:$0x18100] =	vst v63  }
0x2b6: {  	s23 =	simm.s32 $0x6100  }
0x2b7: {  	[tilespmem:s23], [sflag:$0x2] =	stream.indirect_vreg.gather [hbm4b:s13+s3], $0x80, v2, vm0, $0xb8;
	[tilespmem:$0x18100] =	vst v63  }
0x2b8: {  	s24 =	simm.s32 $0x6900  }
0x2b9: {  	[tilespmem:s24], [sflag:$0x2] =	stream.indirect_vreg.gather [hbm4b:s14+s3], $0x80, v2, vm0, $0xb8;
	[tilespmem:$0x18100] =	vst v63  }
0x2ba: {  	s23 =	simm.s32 $0x7100  }
0x2bb: {  	[tilespmem:s23], [sflag:$0x2] =	stream.indirect_vreg.gather [hbm4b:s15+s3], $0x80, v2, vm0, $0xb8;
	[tilespmem:$0x18100] =	vst v63  }
0x2bc: {  	s24 =	simm.s32 $0x7900  }
0x2bd: {  	[tilespmem:s24], [sflag:$0x2] =	stream.indirect_vreg.gather [hbm4b:s16+s3], $0x80, v2, vm0, $0xb8;
	[tilespmem:$0x18100] =	vst v63  }
0x2be: {  	s0 =	sadd.s32 s0, s17;
	_ =	swait.ge [sflag:s18], $0x4000  }
0x2bf: {  	s0 =	sshll.u32 s0, $0xB;
	[sflag:s18] =	ssyncset.done $0x0  }
0x2c0: {  	s0 =	sadd.s32 s1, s0;
	[sflag:s18] =	ssyncadd.s32 $0xFFFFC000  }
0x2c1: {  	[tilespmem:s19], [sflag:$0x4] =	stream.linear.gather [hbm4b:s0+s3], $0x4000, $0x38;
	[tilespmem:$0x18100] =	vst v63  }
0x2c2: {  	_ =	swait.ge [sflag:s9], $0x4000  }
0x2c3: {  	[sflag:s9] =	ssyncset.done $0x0  }
0x2c4: {  	[sflag:s9] =	ssyncadd.s32 $0xFFFFC000  }
0x2c5: {  	_ =	swait.ge [sflag:s30], $0x4000  }
0x2c6: {  	[sflag:s30] =	ssyncset.done $0x0  }
0x2c7: {  	s0 =	simm.s32 $0x0;
	[sflag:s30] =	ssyncadd.s32 $0xFFFFC000  }
0x2c8: {  	v2 =	vld [tilespmem:s0+$0x8170]  }
0x2c9: {  	v3 =	vld [tilespmem:s0+$0x8100]  }
0x2ca: {  	v4 =	vld [tilespmem:s0+$0x8110]  }
0x2cb: {  	v5 =	vld [tilespmem:s0+$0x8120]  }
0x2cc: {  	v6 =	vld [tilespmem:s0+$0x8130]  }
0x2cd: {  	v7 =	vld [tilespmem:s0+$0x8140]  }
0x2ce: {  	v8 =	vld [tilespmem:s0+$0x8150]  }
0x2cf: {  	[tilespmem:s0+$0x14170] =	vst.add.f32.msk $0xffff, v2  }
0x2d0: {  	v2 =	vld [tilespmem:s0+$0x8160]  }
0x2d1: {  	[tilespmem:s0+$0x14100] =	vst.add.f32.msk $0xffff, v3  }
0x2d2: {  	[tilespmem:s0+$0x14110] =	vst.add.f32.msk $0xffff, v4  }
0x2d3: {  	[tilespmem:s0+$0x14120] =	vst.add.f32.msk $0xffff, v5  }
0x2d4: {  	[tilespmem:s0+$0x14130] =	vst.add.f32.msk $0xffff, v6  }
0x2d5: {  	[tilespmem:s0+$0x14140] =	vst.add.f32.msk $0xffff, v7  }
0x2d6: {  	s22 =	simm.s32 $0x1000;
	s3 =	simm.s32 $0x0;
	[tilespmem:s0+$0x14150] =	vst.add.f32.msk $0xffff, v8  }
.LBB2_38:
0x2d7: {  	s3 =	sadd.s32 $0x8, s3;
	[tilespmem:s0+$0x14160] =	vst.add.f32.msk $0xffff, v2;
	s0 =	sshra.s32 s22, $0x2  }
0x2d8: {  	v2 =	vld [tilespmem:s0+$0x8170];
	p0 =	slt.u32 s3, $0x78  }
0x2d9: {  	v3 =	vld [tilespmem:s0+$0x8100]  }
0x2da: {  	v4 =	vld [tilespmem:s0+$0x8110]  }
0x2db: {  	v5 =	vld [tilespmem:s0+$0x8120]  }
0x2dc: {  	v6 =	vld [tilespmem:s0+$0x8130]  }
0x2dd: {  	[tilespmem:s0+$0x14170] =	vst.add.f32.msk $0xffff, v2  }
0x2de: {  	v7 =	vld [tilespmem:s0+$0x8140]  }
0x2df: {  	v8 =	vld [tilespmem:s0+$0x8150]  }
0x2e0: {  	v2 =	vld [tilespmem:s0+$0x8160]  }
0x2e1: {  	[tilespmem:s0+$0x14100] =	vst.add.f32.msk $0xffff, v3  }
.Ltmp20:
0x2e2: {  	[tilespmem:s0+$0x14110] =	vst.add.f32.msk $0xffff, v4;
	(pc) =	sbr.rel @p0 .LBB2_38-.Ltmp20, $4  }
0x2e3: {  	[tilespmem:s0+$0x14120] =	vst.add.f32.msk $0xffff, v5  }
0x2e4: {  	[tilespmem:s0+$0x14130] =	vst.add.f32.msk $0xffff, v6  }
0x2e5: {  	[tilespmem:s0+$0x14140] =	vst.add.f32.msk $0xffff, v7  }
0x2e6: {  	s22 =	sadd.s32 $0x1000, s22;
	[tilespmem:s0+$0x14150] =	vst.add.f32.msk $0xffff, v8  }
0x2e7: {  	[tilespmem:s0+$0x14160] =	vst.add.f32.msk $0xffff, v2;
	s0 =	simm.s32 $0x0  }
0x2e8: {  	v2 =	vld [tilespmem:s0+$0x81F0]  }
0x2e9: {  	v3 =	vld [tilespmem:s0+$0x8180]  }
0x2ea: {  	v4 =	vld [tilespmem:s0+$0x8190]  }
0x2eb: {  	v5 =	vld [tilespmem:s0+$0x81A0]  }
0x2ec: {  	v6 =	vld [tilespmem:s0+$0x81B0]  }
0x2ed: {  	v7 =	vld [tilespmem:s0+$0x81C0]  }
0x2ee: {  	v8 =	vld [tilespmem:s0+$0x81D0]  }
0x2ef: {  	[tilespmem:s0+$0x141F0] =	vst.add.f32.msk $0xffff, v2  }
0x2f0: {  	v2 =	vld [tilespmem:s0+$0x81E0]  }
0x2f1: {  	[tilespmem:s0+$0x14180] =	vst.add.f32.msk $0xffff, v3  }
0x2f2: {  	[tilespmem:s0+$0x14190] =	vst.add.f32.msk $0xffff, v4  }
0x2f3: {  	[tilespmem:s0+$0x141A0] =	vst.add.f32.msk $0xffff, v5  }
0x2f4: {  	[tilespmem:s0+$0x141B0] =	vst.add.f32.msk $0xffff, v6  }
0x2f5: {  	[tilespmem:s0+$0x141C0] =	vst.add.f32.msk $0xffff, v7  }
0x2f6: {  	s3 =	simm.s32 $0x0;
	s22 =	simm.s32 $0x1000;
	[tilespmem:s0+$0x141D0] =	vst.add.f32.msk $0xffff, v8  }
.LBB2_40:
0x2f7: {  	s3 =	sadd.s32 $0x8, s3;
	[tilespmem:s0+$0x141E0] =	vst.add.f32.msk $0xffff, v2;
	s0 =	sshra.s32 s22, $0x2  }
0x2f8: {  	v2 =	vld [tilespmem:s0+$0x81F0];
	p0 =	slt.u32 s3, $0x78  }
0x2f9: {  	v3 =	vld [tilespmem:s0+$0x8180]  }
0x2fa: {  	v4 =	vld [tilespmem:s0+$0x8190]  }
0x2fb: {  	v5 =	vld [tilespmem:s0+$0x81A0]  }
0x2fc: {  	v6 =	vld [tilespmem:s0+$0x81B0]  }
0x2fd: {  	[tilespmem:s0+$0x141F0] =	vst.add.f32.msk $0xffff, v2  }
0x2fe: {  	v7 =	vld [tilespmem:s0+$0x81C0]  }
0x2ff: {  	v8 =	vld [tilespmem:s0+$0x81D0]  }
0x300: {  	v2 =	vld [tilespmem:s0+$0x81E0]  }
0x301: {  	[tilespmem:s0+$0x14180] =	vst.add.f32.msk $0xffff, v3  }
.Ltmp21:
0x302: {  	[tilespmem:s0+$0x14190] =	vst.add.f32.msk $0xffff, v4;
	(pc) =	sbr.rel @p0 .LBB2_40-.Ltmp21, $4  }
0x303: {  	[tilespmem:s0+$0x141A0] =	vst.add.f32.msk $0xffff, v5  }
0x304: {  	[tilespmem:s0+$0x141B0] =	vst.add.f32.msk $0xffff, v6  }
0x305: {  	[tilespmem:s0+$0x141C0] =	vst.add.f32.msk $0xffff, v7  }
0x306: {  	s22 =	sadd.s32 $0x1000, s22;
	[tilespmem:s0+$0x141D0] =	vst.add.f32.msk $0xffff, v8  }
0x307: {  	[tilespmem:s0+$0x141E0] =	vst.add.f32.msk $0xffff, v2;
	s0 =	simm.s32 $0x0  }
0x308: {  	v2 =	vld [tilespmem:s0+$0x8270]  }
0x309: {  	v3 =	vld [tilespmem:s0+$0x8200]  }
0x30a: {  	v4 =	vld [tilespmem:s0+$0x8210]  }
0x30b: {  	v5 =	vld [tilespmem:s0+$0x8220]  }
0x30c: {  	v6 =	vld [tilespmem:s0+$0x8230]  }
0x30d: {  	v7 =	vld [tilespmem:s0+$0x8240]  }
0x30e: {  	v8 =	vld [tilespmem:s0+$0x8250]  }
0x30f: {  	[tilespmem:s0+$0x14270] =	vst.add.f32.msk $0xffff, v2  }
0x310: {  	v2 =	vld [tilespmem:s0+$0x8260]  }
0x311: {  	[tilespmem:s0+$0x14200] =	vst.add.f32.msk $0xffff, v3  }
0x312: {  	[tilespmem:s0+$0x14210] =	vst.add.f32.msk $0xffff, v4  }
0x313: {  	[tilespmem:s0+$0x14220] =	vst.add.f32.msk $0xffff, v5  }
0x314: {  	[tilespmem:s0+$0x14230] =	vst.add.f32.msk $0xffff, v6  }
0x315: {  	[tilespmem:s0+$0x14240] =	vst.add.f32.msk $0xffff, v7  }
0x316: {  	s3 =	simm.s32 $0x0;
	s22 =	simm.s32 $0x1000;
	[tilespmem:s0+$0x14250] =	vst.add.f32.msk $0xffff, v8  }
.LBB2_42:
0x317: {  	s3 =	sadd.s32 $0x8, s3;
	[tilespmem:s0+$0x14260] =	vst.add.f32.msk $0xffff, v2;
	s0 =	sshra.s32 s22, $0x2  }
0x318: {  	v2 =	vld [tilespmem:s0+$0x8270];
	p0 =	slt.u32 s3, $0x78  }
0x319: {  	v3 =	vld [tilespmem:s0+$0x8200]  }
0x31a: {  	v4 =	vld [tilespmem:s0+$0x8210]  }
0x31b: {  	v5 =	vld [tilespmem:s0+$0x8220]  }
0x31c: {  	v6 =	vld [tilespmem:s0+$0x8230]  }
0x31d: {  	[tilespmem:s0+$0x14270] =	vst.add.f32.msk $0xffff, v2  }
0x31e: {  	v7 =	vld [tilespmem:s0+$0x8240]  }
0x31f: {  	v8 =	vld [tilespmem:s0+$0x8250]  }
0x320: {  	v2 =	vld [tilespmem:s0+$0x8260]  }
0x321: {  	[tilespmem:s0+$0x14200] =	vst.add.f32.msk $0xffff, v3  }
.Ltmp22:
0x322: {  	[tilespmem:s0+$0x14210] =	vst.add.f32.msk $0xffff, v4;
	(pc) =	sbr.rel @p0 .LBB2_42-.Ltmp22, $4  }
0x323: {  	[tilespmem:s0+$0x14220] =	vst.add.f32.msk $0xffff, v5  }
0x324: {  	[tilespmem:s0+$0x14230] =	vst.add.f32.msk $0xffff, v6  }
0x325: {  	[tilespmem:s0+$0x14240] =	vst.add.f32.msk $0xffff, v7  }
0x326: {  	s22 =	sadd.s32 $0x1000, s22;
	[tilespmem:s0+$0x14250] =	vst.add.f32.msk $0xffff, v8  }
0x327: {  	[tilespmem:s0+$0x14260] =	vst.add.f32.msk $0xffff, v2;
	s0 =	simm.s32 $0x0  }
0x328: {  	v2 =	vld [tilespmem:s0+$0x82F0]  }
0x329: {  	v3 =	vld [tilespmem:s0+$0x8280]  }
0x32a: {  	v4 =	vld [tilespmem:s0+$0x8290]  }
0x32b: {  	v5 =	vld [tilespmem:s0+$0x82A0]  }
0x32c: {  	v6 =	vld [tilespmem:s0+$0x82B0]  }
0x32d: {  	v7 =	vld [tilespmem:s0+$0x82C0]  }
0x32e: {  	v8 =	vld [tilespmem:s0+$0x82D0]  }
0x32f: {  	[tilespmem:s0+$0x142F0] =	vst.add.f32.msk $0xffff, v2  }
0x330: {  	v2 =	vld [tilespmem:s0+$0x82E0]  }
0x331: {  	[tilespmem:s0+$0x14280] =	vst.add.f32.msk $0xffff, v3  }
0x332: {  	[tilespmem:s0+$0x14290] =	vst.add.f32.msk $0xffff, v4  }
0x333: {  	[tilespmem:s0+$0x142A0] =	vst.add.f32.msk $0xffff, v5  }
0x334: {  	[tilespmem:s0+$0x142B0] =	vst.add.f32.msk $0xffff, v6  }
0x335: {  	[tilespmem:s0+$0x142C0] =	vst.add.f32.msk $0xffff, v7  }
0x336: {  	s3 =	simm.s32 $0x0;
	s22 =	simm.s32 $0x1000;
	[tilespmem:s0+$0x142D0] =	vst.add.f32.msk $0xffff, v8  }
.LBB2_44:
0x337: {  	s3 =	sadd.s32 $0x8, s3;
	[tilespmem:s0+$0x142E0] =	vst.add.f32.msk $0xffff, v2;
	s0 =	sshra.s32 s22, $0x2  }
0x338: {  	v2 =	vld [tilespmem:s0+$0x82F0];
	p0 =	slt.u32 s3, $0x78  }
0x339: {  	v3 =	vld [tilespmem:s0+$0x8280]  }
0x33a: {  	v4 =	vld [tilespmem:s0+$0x8290]  }
0x33b: {  	v5 =	vld [tilespmem:s0+$0x82A0]  }
0x33c: {  	v6 =	vld [tilespmem:s0+$0x82B0]  }
0x33d: {  	[tilespmem:s0+$0x142F0] =	vst.add.f32.msk $0xffff, v2  }
0x33e: {  	v7 =	vld [tilespmem:s0+$0x82C0]  }
0x33f: {  	v8 =	vld [tilespmem:s0+$0x82D0]  }
0x340: {  	v2 =	vld [tilespmem:s0+$0x82E0]  }
0x341: {  	[tilespmem:s0+$0x14280] =	vst.add.f32.msk $0xffff, v3  }
.Ltmp23:
0x342: {  	[tilespmem:s0+$0x14290] =	vst.add.f32.msk $0xffff, v4;
	(pc) =	sbr.rel @p0 .LBB2_44-.Ltmp23, $4  }
0x343: {  	[tilespmem:s0+$0x142A0] =	vst.add.f32.msk $0xffff, v5  }
0x344: {  	[tilespmem:s0+$0x142B0] =	vst.add.f32.msk $0xffff, v6  }
0x345: {  	[tilespmem:s0+$0x142C0] =	vst.add.f32.msk $0xffff, v7  }
0x346: {  	s22 =	sadd.s32 $0x1000, s22;
	[tilespmem:s0+$0x142D0] =	vst.add.f32.msk $0xffff, v8  }
0x347: {  	[tilespmem:s0+$0x142E0] =	vst.add.f32.msk $0xffff, v2;
	s0 =	simm.s32 $0x0  }
0x348: {  	v2 =	vld [tilespmem:s0+$0x8370]  }
0x349: {  	v3 =	vld [tilespmem:s0+$0x8300]  }
0x34a: {  	v4 =	vld [tilespmem:s0+$0x8310]  }
0x34b: {  	v5 =	vld [tilespmem:s0+$0x8320]  }
0x34c: {  	v6 =	vld [tilespmem:s0+$0x8330]  }
0x34d: {  	v7 =	vld [tilespmem:s0+$0x8340]  }
0x34e: {  	v8 =	vld [tilespmem:s0+$0x8350]  }
0x34f: {  	[tilespmem:s0+$0x14370] =	vst.add.f32.msk $0xffff, v2  }
0x350: {  	v2 =	vld [tilespmem:s0+$0x8360]  }
0x351: {  	[tilespmem:s0+$0x14300] =	vst.add.f32.msk $0xffff, v3  }
0x352: {  	[tilespmem:s0+$0x14310] =	vst.add.f32.msk $0xffff, v4  }
0x353: {  	[tilespmem:s0+$0x14320] =	vst.add.f32.msk $0xffff, v5  }
0x354: {  	[tilespmem:s0+$0x14330] =	vst.add.f32.msk $0xffff, v6  }
0x355: {  	[tilespmem:s0+$0x14340] =	vst.add.f32.msk $0xffff, v7  }
0x356: {  	s3 =	simm.s32 $0x0;
	s22 =	simm.s32 $0x1000;
	[tilespmem:s0+$0x14350] =	vst.add.f32.msk $0xffff, v8  }
.LBB2_46:
0x357: {  	s3 =	sadd.s32 $0x8, s3;
	[tilespmem:s0+$0x14360] =	vst.add.f32.msk $0xffff, v2;
	s0 =	sshra.s32 s22, $0x2  }
0x358: {  	v2 =	vld [tilespmem:s0+$0x8370];
	p0 =	slt.u32 s3, $0x78  }
0x359: {  	v3 =	vld [tilespmem:s0+$0x8300]  }
0x35a: {  	v4 =	vld [tilespmem:s0+$0x8310]  }
0x35b: {  	v5 =	vld [tilespmem:s0+$0x8320]  }
0x35c: {  	v6 =	vld [tilespmem:s0+$0x8330]  }
0x35d: {  	[tilespmem:s0+$0x14370] =	vst.add.f32.msk $0xffff, v2  }
0x35e: {  	v7 =	vld [tilespmem:s0+$0x8340]  }
0x35f: {  	v8 =	vld [tilespmem:s0+$0x8350]  }
0x360: {  	v2 =	vld [tilespmem:s0+$0x8360]  }
0x361: {  	[tilespmem:s0+$0x14300] =	vst.add.f32.msk $0xffff, v3  }
.Ltmp24:
0x362: {  	[tilespmem:s0+$0x14310] =	vst.add.f32.msk $0xffff, v4;
	(pc) =	sbr.rel @p0 .LBB2_46-.Ltmp24, $4  }
0x363: {  	[tilespmem:s0+$0x14320] =	vst.add.f32.msk $0xffff, v5  }
0x364: {  	[tilespmem:s0+$0x14330] =	vst.add.f32.msk $0xffff, v6  }
0x365: {  	[tilespmem:s0+$0x14340] =	vst.add.f32.msk $0xffff, v7  }
0x366: {  	s22 =	sadd.s32 $0x1000, s22;
	[tilespmem:s0+$0x14350] =	vst.add.f32.msk $0xffff, v8  }
0x367: {  	[tilespmem:s0+$0x14360] =	vst.add.f32.msk $0xffff, v2;
	s0 =	simm.s32 $0x0  }
0x368: {  	v2 =	vld [tilespmem:s0+$0x83F0]  }
0x369: {  	v3 =	vld [tilespmem:s0+$0x8380]  }
0x36a: {  	v4 =	vld [tilespmem:s0+$0x8390]  }
0x36b: {  	v5 =	vld [tilespmem:s0+$0x83A0]  }
0x36c: {  	v6 =	vld [tilespmem:s0+$0x83B0]  }
0x36d: {  	v7 =	vld [tilespmem:s0+$0x83C0]  }
0x36e: {  	v8 =	vld [tilespmem:s0+$0x83D0]  }
0x36f: {  	[tilespmem:s0+$0x143F0] =	vst.add.f32.msk $0xffff, v2  }
0x370: {  	v2 =	vld [tilespmem:s0+$0x83E0]  }
0x371: {  	[tilespmem:s0+$0x14380] =	vst.add.f32.msk $0xffff, v3  }
0x372: {  	[tilespmem:s0+$0x14390] =	vst.add.f32.msk $0xffff, v4  }
0x373: {  	[tilespmem:s0+$0x143A0] =	vst.add.f32.msk $0xffff, v5  }
0x374: {  	[tilespmem:s0+$0x143B0] =	vst.add.f32.msk $0xffff, v6  }
0x375: {  	[tilespmem:s0+$0x143C0] =	vst.add.f32.msk $0xffff, v7  }
0x376: {  	s3 =	simm.s32 $0x0;
	s22 =	simm.s32 $0x1000;
	[tilespmem:s0+$0x143D0] =	vst.add.f32.msk $0xffff, v8  }
.LBB2_48:
0x377: {  	s3 =	sadd.s32 $0x8, s3;
	[tilespmem:s0+$0x143E0] =	vst.add.f32.msk $0xffff, v2;
	s0 =	sshra.s32 s22, $0x2  }
0x378: {  	v2 =	vld [tilespmem:s0+$0x83F0];
	p0 =	slt.u32 s3, $0x78  }
0x379: {  	v3 =	vld [tilespmem:s0+$0x8380]  }
0x37a: {  	v4 =	vld [tilespmem:s0+$0x8390]  }
0x37b: {  	v5 =	vld [tilespmem:s0+$0x83A0]  }
0x37c: {  	v6 =	vld [tilespmem:s0+$0x83B0]  }
0x37d: {  	[tilespmem:s0+$0x143F0] =	vst.add.f32.msk $0xffff, v2  }
0x37e: {  	v7 =	vld [tilespmem:s0+$0x83C0]  }
0x37f: {  	v8 =	vld [tilespmem:s0+$0x83D0]  }
0x380: {  	v2 =	vld [tilespmem:s0+$0x83E0]  }
0x381: {  	[tilespmem:s0+$0x14380] =	vst.add.f32.msk $0xffff, v3  }
.Ltmp25:
0x382: {  	[tilespmem:s0+$0x14390] =	vst.add.f32.msk $0xffff, v4;
	(pc) =	sbr.rel @p0 .LBB2_48-.Ltmp25, $4  }
0x383: {  	[tilespmem:s0+$0x143A0] =	vst.add.f32.msk $0xffff, v5  }
0x384: {  	[tilespmem:s0+$0x143B0] =	vst.add.f32.msk $0xffff, v6  }
0x385: {  	[tilespmem:s0+$0x143C0] =	vst.add.f32.msk $0xffff, v7  }
0x386: {  	s22 =	sadd.s32 $0x1000, s22;
	[tilespmem:s0+$0x143D0] =	vst.add.f32.msk $0xffff, v8  }
0x387: {  	[tilespmem:s0+$0x143E0] =	vst.add.f32.msk $0xffff, v2;
	s0 =	simm.s32 $0x0  }
0x388: {  	v2 =	vld [tilespmem:s0+$0x8470]  }
0x389: {  	v3 =	vld [tilespmem:s0+$0x8400]  }
0x38a: {  	v4 =	vld [tilespmem:s0+$0x8410]  }
0x38b: {  	v5 =	vld [tilespmem:s0+$0x8420]  }
0x38c: {  	v6 =	vld [tilespmem:s0+$0x8430]  }
0x38d: {  	v7 =	vld [tilespmem:s0+$0x8440]  }
0x38e: {  	v8 =	vld [tilespmem:s0+$0x8450]  }
0x38f: {  	[tilespmem:s0+$0x14470] =	vst.add.f32.msk $0xffff, v2  }
0x390: {  	v2 =	vld [tilespmem:s0+$0x8460]  }
0x391: {  	[tilespmem:s0+$0x14400] =	vst.add.f32.msk $0xffff, v3  }
0x392: {  	[tilespmem:s0+$0x14410] =	vst.add.f32.msk $0xffff, v4  }
0x393: {  	[tilespmem:s0+$0x14420] =	vst.add.f32.msk $0xffff, v5  }
0x394: {  	[tilespmem:s0+$0x14430] =	vst.add.f32.msk $0xffff, v6  }
0x395: {  	[tilespmem:s0+$0x14440] =	vst.add.f32.msk $0xffff, v7  }
0x396: {  	s3 =	simm.s32 $0x0;
	s22 =	simm.s32 $0x1000;
	[tilespmem:s0+$0x14450] =	vst.add.f32.msk $0xffff, v8  }
.LBB2_50:
0x397: {  	s3 =	sadd.s32 $0x8, s3;
	[tilespmem:s0+$0x14460] =	vst.add.f32.msk $0xffff, v2;
	s0 =	sshra.s32 s22, $0x2  }
0x398: {  	v2 =	vld [tilespmem:s0+$0x8470];
	p0 =	slt.u32 s3, $0x78  }
0x399: {  	v3 =	vld [tilespmem:s0+$0x8400]  }
0x39a: {  	v4 =	vld [tilespmem:s0+$0x8410]  }
0x39b: {  	v5 =	vld [tilespmem:s0+$0x8420]  }
0x39c: {  	v6 =	vld [tilespmem:s0+$0x8430]  }
0x39d: {  	[tilespmem:s0+$0x14470] =	vst.add.f32.msk $0xffff, v2  }
0x39e: {  	v7 =	vld [tilespmem:s0+$0x8440]  }
0x39f: {  	v8 =	vld [tilespmem:s0+$0x8450]  }
0x3a0: {  	v2 =	vld [tilespmem:s0+$0x8460]  }
0x3a1: {  	[tilespmem:s0+$0x14400] =	vst.add.f32.msk $0xffff, v3  }
.Ltmp26:
0x3a2: {  	[tilespmem:s0+$0x14410] =	vst.add.f32.msk $0xffff, v4;
	(pc) =	sbr.rel @p0 .LBB2_50-.Ltmp26, $4  }
0x3a3: {  	[tilespmem:s0+$0x14420] =	vst.add.f32.msk $0xffff, v5  }
0x3a4: {  	[tilespmem:s0+$0x14430] =	vst.add.f32.msk $0xffff, v6  }
0x3a5: {  	[tilespmem:s0+$0x14440] =	vst.add.f32.msk $0xffff, v7  }
0x3a6: {  	s22 =	sadd.s32 $0x1000, s22;
	[tilespmem:s0+$0x14450] =	vst.add.f32.msk $0xffff, v8  }
0x3a7: {  	[tilespmem:s0+$0x14460] =	vst.add.f32.msk $0xffff, v2;
	s0 =	simm.s32 $0x0  }
0x3a8: {  	v2 =	vld [tilespmem:s0+$0x84F0]  }
0x3a9: {  	v3 =	vld [tilespmem:s0+$0x8480]  }
0x3aa: {  	v4 =	vld [tilespmem:s0+$0x8490]  }
0x3ab: {  	v5 =	vld [tilespmem:s0+$0x84A0]  }
0x3ac: {  	v6 =	vld [tilespmem:s0+$0x84B0]  }
0x3ad: {  	v7 =	vld [tilespmem:s0+$0x84C0]  }
0x3ae: {  	v8 =	vld [tilespmem:s0+$0x84D0]  }
0x3af: {  	[tilespmem:s0+$0x144F0] =	vst.add.f32.msk $0xffff, v2  }
0x3b0: {  	v2 =	vld [tilespmem:s0+$0x84E0]  }
0x3b1: {  	[tilespmem:s0+$0x14480] =	vst.add.f32.msk $0xffff, v3  }
0x3b2: {  	[tilespmem:s0+$0x14490] =	vst.add.f32.msk $0xffff, v4  }
0x3b3: {  	[tilespmem:s0+$0x144A0] =	vst.add.f32.msk $0xffff, v5  }
0x3b4: {  	[tilespmem:s0+$0x144B0] =	vst.add.f32.msk $0xffff, v6  }
0x3b5: {  	[tilespmem:s0+$0x144C0] =	vst.add.f32.msk $0xffff, v7  }
0x3b6: {  	s3 =	simm.s32 $0x0;
	s22 =	simm.s32 $0x1000;
	[tilespmem:s0+$0x144D0] =	vst.add.f32.msk $0xffff, v8  }
.LBB2_52:
0x3b7: {  	s3 =	sadd.s32 $0x8, s3;
	[tilespmem:s0+$0x144E0] =	vst.add.f32.msk $0xffff, v2;
	s0 =	sshra.s32 s22, $0x2  }
0x3b8: {  	v2 =	vld [tilespmem:s0+$0x84F0];
	p0 =	slt.u32 s3, $0x78  }
0x3b9: {  	v3 =	vld [tilespmem:s0+$0x8480]  }
0x3ba: {  	v4 =	vld [tilespmem:s0+$0x8490]  }
0x3bb: {  	v5 =	vld [tilespmem:s0+$0x84A0]  }
0x3bc: {  	v6 =	vld [tilespmem:s0+$0x84B0]  }
0x3bd: {  	[tilespmem:s0+$0x144F0] =	vst.add.f32.msk $0xffff, v2  }
0x3be: {  	v7 =	vld [tilespmem:s0+$0x84C0]  }
0x3bf: {  	v8 =	vld [tilespmem:s0+$0x84D0]  }
0x3c0: {  	v2 =	vld [tilespmem:s0+$0x84E0]  }
0x3c1: {  	[tilespmem:s0+$0x14480] =	vst.add.f32.msk $0xffff, v3  }
.Ltmp27:
0x3c2: {  	[tilespmem:s0+$0x14490] =	vst.add.f32.msk $0xffff, v4;
	(pc) =	sbr.rel @p0 .LBB2_52-.Ltmp27, $4  }
0x3c3: {  	[tilespmem:s0+$0x144A0] =	vst.add.f32.msk $0xffff, v5  }
0x3c4: {  	[tilespmem:s0+$0x144B0] =	vst.add.f32.msk $0xffff, v6  }
0x3c5: {  	[tilespmem:s0+$0x144C0] =	vst.add.f32.msk $0xffff, v7  }
0x3c6: {  	s22 =	sadd.s32 $0x1000, s22;
	[tilespmem:s0+$0x144D0] =	vst.add.f32.msk $0xffff, v8  }
.Ltmp28:
0x3c7: {  	s3 =	sadd.s32 s7, s21;
	(pc) =	sbr.rel .LBB2_2-.Ltmp28, $4  }
0x3c8: {  	s3 =	sshll.u32 s3, $0xB  }
0x3c9: {  	s3 =	sand.u32 $0x1FFFF800, s3  }
0x3ca: {  	[tilespmem:s0+$0x144E0] =	vst.add.f32.msk $0xffff, v2;
	s24 =	simm.s32 $0x14100;
	s31 =	sadd.s32 $0x1, s31;
	s23 =	sadd.s32 s4, s3  }
0x3cb: {  	[hbm4b:s23+s5] =	stream.linear.scatter [tilespmem:s24], [sflag:$0x9], $0x4000, $0x38;
	[tilespmem:$0x18100] =	vst v63  }
.LBB2_55:
0x3cc: {  	_ =	sfence.sel $0x180000  }
0x3cd: {  	[bflag:$0x0] =	sbarrier.arrive $0xFFFF  }
0x3ce: {  	_ =	strace $0x90000047  }
0x3cf: {  	s0 =	stileid.u32;
	[bflag:$0x2] =	sbarrier.arrive $0xFFFF  }
0x3d0: {  	p0 =	sne.s32 s0, $0x0;
	s0 =	rddreg [dreg:$0x4]  }
0x3d1: {  	s0 =	sadd.s32 @!p0 $0x100000, s0  }
0x3d2: {  	[sflag:s0] =	ssyncadd.tile.s32 @!p0 $0x1;
	_ =	shalt  }
.Lfunc_end2:
_tile_overlayer_lowered:
.L_overlay_start_2:
0x3d3: {  	(tag) =	ssettag $0x2  }
0x3d4: {  	s0 =	rddreg [dreg:$0x0];
	s2 =	stileid.u32  }
0x3d5: {  	s1 =	rddreg [dreg:$0x1];
	p0 =	sne.s32 s2, $0x0  }
0x3d6: {  	s3 =	rddreg [dreg:$0x2];
	[bflag:$0x3] =	sbarrier.arrive $0xFFFF;
	s2 =	simm.s32 @!p0 $0x1C0A  }
0x3d7: {  	[timem:s3], [sflag:s2] =	dma.local @!p0 [hbm:s0], s1  }
0x3d8: {  	s0 =	simm.s32 @!p0 $0xA  }
0x3d9: {  	_ =	swait.ge @!p0 [sflag:s0], s1  }
0x3da: {  	s1 =	ssub.s32 @!p0 $0x0, s1;
	[sflag:s0] =	ssyncset.done @!p0 $0x0  }
0x3db: {  	[sflag:s0] =	ssyncadd.s32 @!p0 s1  }
0x3dc: {  	[bflag:$0x3] =	sbarrier.arrive $0xFFFF  }
0x3dd: {  	_ =	shalt  }

</sc_bundles>
